<compile_context>
chip_gen: v7x
topology: tpu7x:2x2x1
jax: 0.10.2.dev20260603
libtpu: 0.0.44.dev20260713+nightly
codegen_flags: <defaults>
</compile_context>

<pallas_src>
import functools

import jax
import jax.numpy as jnp
from jax import lax
from jax.experimental import pallas as pl
from jax.experimental.pallas import tpu as pltpu
from jax.experimental.pallas import tpu_sc as plsc

N = 10000
E = 320000
D = 128

NC = 2
NS = 16
NW = NC * NS
L = 16

CT = E // 128
T_SML = CT // NW
T_BIG = T_SML + 1
N_BIG = CT - NW * T_SML
SZ_BIG = T_BIG * 128
SZ_SML = T_SML * 128

N_CHUNKS = N // L
N_WORKERS_NODE = 25
N_PER = (N_CHUNKS // N_WORKERS_NODE) * L


def _norm_relu(h):
    eps = 1e-5
    inv_n = 1.0 / N
    m = jnp.sum(h, axis=1, keepdims=True) * inv_n
    s2 = jnp.sum(h * h, axis=1, keepdims=True) * inv_n
    r = lax.rsqrt(s2 - m * m + eps)
    return jnp.maximum(h * r - m * r, 0.0)


def _mlp_body(x_ref, w1_ref, w2_ref, w3_ref, b3_ref, rn_ref, att_ref):
    h = lax.dot_general(w1_ref[...], x_ref[...], (((0,), (1,)), ((), ())),
                        preferred_element_type=jnp.float32)
    h = _norm_relu(h)
    h = lax.dot_general(w2_ref[...], h, (((0,), (0,)), ((), ())),
                        preferred_element_type=jnp.float32)
    h = _norm_relu(h)
    logit = lax.dot_general(w3_ref[...], h, (((1,), (0,)), ((), ())),
                            preferred_element_type=jnp.float32)
    logit = logit + b3_ref[...]
    z = logit + rn_ref[...].reshape(1, N)
    att_ref[...] = jax.nn.sigmoid(z).reshape(N)


_mlp = pl.pallas_call(
    _mlp_body,
    out_shape=jax.ShapeDtypeStruct((N,), jnp.float32),
)


@functools.cache
def _build_lift():
    mesh = plsc.VectorSubcoreMesh(core_axis_name="c", subcore_axis_name="s")

    @functools.partial(
        pl.kernel,
        mesh=mesh,
        out_type=jax.ShapeDtypeStruct((E + N,), jnp.float32),
        scratch_types=[
            pltpu.VMEM((N,), jnp.float32),
            pltpu.VMEM((2, SZ_BIG), jnp.int32),
            pltpu.VMEM((SZ_BIG,), jnp.float32),
            pltpu.VMEM((N_PER,), jnp.float32),
            pltpu.SemaphoreType.DMA,
            pltpu.SemaphoreType.DMA,
            pltpu.SemaphoreType.DMA,
            pltpu.SemaphoreType.DMA,
        ],
        compiler_params=pltpu.CompilerParams(needs_layout_passes=False),
    )
    def _lift(att_hbm, eidx_hbm, out_hbm, att_v, ei_v, eo_v, no_v,
              sem_att, sem_i0, sem_i1, sem_out):
        wid = lax.axis_index("s") * NC + lax.axis_index("c")
        base = 128 * jnp.where(wid < N_BIG, wid * T_BIG,
                               N_BIG * T_BIG + (wid - N_BIG) * T_SML)

        def run(sz):
            h0 = (sz // 2) // 128 * 128
            h1 = sz - h0
            c_att = pltpu.async_copy(att_hbm, att_v, sem_att)
            c_i0 = pltpu.async_copy(eidx_hbm.at[:, pl.ds(base, h0)],
                                    ei_v.at[:, pl.ds(0, h0)], sem_i0)
            c_i1 = pltpu.async_copy(eidx_hbm.at[:, pl.ds(base + h0, h1)],
                                    ei_v.at[:, pl.ds(h0, h1)], sem_i1)

            def gather_span(lo, hi):
                @plsc.parallel_loop(lo, hi, 1, unroll=16)
                def _edge_body(i):
                    s = plsc.load_gather(att_v, [ei_v[0, pl.ds(i * L, L)]])
                    d = plsc.load_gather(att_v, [ei_v[1, pl.ds(i * L, L)]])
                    eo_v[pl.ds(i * L, L)] = s * d

            c_att.wait()
            c_i0.wait()
            gather_span(0, h0 // L)
            c_o0 = pltpu.async_copy(eo_v.at[pl.ds(0, h0)],
                                    out_hbm.at[pl.ds(base, h0)], sem_out)
            c_i1.wait()
            gather_span(h0 // L, sz // L)
            c_o1 = pltpu.async_copy(eo_v.at[pl.ds(h0, h1)],
                                    out_hbm.at[pl.ds(base + h0, h1)], sem_out)

            @pl.when(wid < N_WORKERS_NODE)
            def _node_part():
                nbase = wid * N_PER

                def node_body(i, carry):
                    a = att_v[pl.ds(nbase + i * L, L)]
                    no_v[pl.ds(i * L, L)] = a * a
                    return carry

                lax.fori_loop(0, N_PER // L, node_body, 0)
                pltpu.sync_copy(no_v, out_hbm.at[pl.ds(E + nbase, N_PER)])

            c_o0.wait()
            c_o1.wait()

        @pl.when(wid < N_BIG)
        def _big():
            run(SZ_BIG)

        @pl.when(wid >= N_BIG)
        def _small():
            run(SZ_SML)

    return _lift


def kernel(x, edge_index, W1, b1, W2, b2, W3, b3, noise):
    rn = (jnp.log(noise) - jnp.log(1.0 - noise)).reshape(N)
    att = _mlp(x, W1, W2, W3.reshape(1, D), b3.reshape(1, 1), rn)
    out = _build_lift()(att, edge_index)
    return out.reshape(E + N, 1)

# --- scband reference (transcript-rebuilt; emitter-appended) ---
"""Pipeline reference for scband-gsatlayer-41841571397744 (READ-ONLY COPY).

The authoritative reference and input builder live on the scoring server;
editing this copy changes nothing except your own understanding.
"""

import jax, jax.numpy as jnp
import numpy as np

N = 10000
E = 320000
D = 128

def _glorot(key, fan_in, fan_out):
    lim = float(np.sqrt(6.0 / (fan_in + fan_out)))
    return jax.random.uniform(key, (fan_in, fan_out), minval=-lim, maxval=lim, dtype=jnp.float32)

def setup_inputs(seed: int = 0) -> dict:
    key = jax.random.key(seed)
    ks = jax.random.split(key, 10)
    x = jax.random.normal(ks[0], (N, D), dtype=jnp.float32)
    edge_index = jax.random.randint(ks[1], (2, E), 0, N, dtype=jnp.int32)
    # ExtractorMLP with learn_edge_features=False: channels [D, 2D, D, 1]
    W1 = _glorot(ks[2], D, 2 * D)
    b1 = jnp.zeros((2 * D,), dtype=jnp.float32)
    W2 = _glorot(ks[3], 2 * D, D)
    b2 = jnp.zeros((D,), dtype=jnp.float32)
    W3 = _glorot(ks[4], D, 1)
    b3 = jnp.zeros((1,), dtype=jnp.float32)
    # concrete-sample uniform noise in (1e-10, 1 - 1e-10), fixed for determinism
    noise = jax.random.uniform(ks[5], (N, 1), minval=1e-10, maxval=1.0 - 1e-10, dtype=jnp.float32)
    return {"x": x, "edge_index": edge_index, "W1": W1, "b1": b1, "W2": W2, "b2": b2, "W3": W3, "b3": b3, "noise": noise}

def _instance_norm(h, eps=1e-5):
    m = jnp.mean(h, axis=0, keepdims=True)
    v = jnp.var(h, axis=0, keepdims=True)
    return (h - m) / jnp.sqrt(v + eps)

def reference(x, edge_index, W1, b1, W2, b2, W3, b3, noise):
    # GSATMLP forward (eval-mode dropout = identity). N > 1 so InstanceNorm applies.
    h = x @ W1 + b1
    h = _instance_norm(h)
    h = jax.nn.relu(h)
    h = h @ W2 + b2
    h = _instance_norm(h)
    h = jax.nn.relu(h)
    att_log_logits = h @ W3 + b3  # [N, 1]
    # concrete_sample, training=True with fixed noise, temp=1
    rn = jnp.log(noise) - jnp.log(1.0 - noise)
    att = jax.nn.sigmoid(att_log_logits + rn)  # node attention [N, 1]
    # lift_node_att_to_edge_att
    src_att = att[edge_index[0]]
    dst_att = att[edge_index[1]]
    edge_att = jnp.concatenate([src_att * dst_att, att * att], axis=0)  # [E + N, 1]
    return edge_att

if __name__ == "__main__":
    import jax
    _d = setup_inputs()
    print(jax.jit(kernel)(*tuple(_d.values())))

</pallas_src>

<mosaic_0001>
#map = affine_map<(d0, d1) -> (0)>
#map1 = affine_map<(d0, d1) -> (0, 0)>
module attributes {stable_mosaic.version = 14 : i64} {
  func.func @_lift(%arg0: i32, %arg1: i32, %arg2: memref<10000xf32, #tpu.memory_space<hbm>>, %arg3: memref<2x320000xi32, #tpu.memory_space<hbm>>, %arg4: memref<330000xf32, #tpu.memory_space<hbm>>, %arg5: memref<10000xf32, #tpu.memory_space<vmem>>, %arg6: memref<2x10112xi32, #tpu.memory_space<vmem>>, %arg7: memref<10112xf32, #tpu.memory_space<vmem>>, %arg8: memref<400xf32, #tpu.memory_space<vmem>>, %arg9: memref<!tpu.dma_semaphore, #tpu.memory_space<semaphore_mem>>, %arg10: memref<!tpu.dma_semaphore, #tpu.memory_space<semaphore_mem>>, %arg11: memref<!tpu.dma_semaphore, #tpu.memory_space<semaphore_mem>>, %arg12: memref<!tpu.dma_semaphore, #tpu.memory_space<semaphore_mem>>) attributes {dimension_semantics = [#tpu.dimension_semantics<core_parallel>, #tpu.dimension_semantics<subcore_parallel>], iteration_bounds = array<i64: 2, 16>, scalar_prefetch = 0 : i64, scratch_operands = 8 : i64, tpu.core_type = #tpu.core_type<sc_vector_subcore>, window_params = [{transform_indices = #map}, {transform_indices = #map1}, {transform_indices = #map}]} {
    %mul3A = arith.constant 2 : i32
    %mul3A_0 = arith.muli %arg1, %mul3A : i32
    %add3A = arith.addi %mul3A_0, %arg0 : i32
    %lt3A = arith.constant 4 : i32
    %lt3A_1 = arith.cmpi slt, %add3A, %lt3A : i32
    %mul3A_2 = arith.constant 79 : i32
    %mul3A_3 = arith.muli %add3A, %mul3A_2 : i32
    %sub3A = arith.constant 4 : i32
    %sub3A_4 = arith.subi %add3A, %sub3A : i32
    %mul3A_5 = arith.constant 78 : i32
    %mul3A_6 = arith.muli %sub3A_4, %mul3A_5 : i32
    %add3A_7 = arith.constant 316 : i32
    %add3A_8 = arith.addi %add3A_7, %mul3A_6 : i32
    %select_n3A = arith.select %lt3A_1, %mul3A_3, %add3A_8 : i32
    %mul3A_9 = arith.constant 128 : i32
    %mul3A_10 = arith.muli %mul3A_9, %select_n3A : i32
    %lt3A_11 = arith.constant 4 : i32
    %lt3A_12 = arith.cmpi slt, %add3A, %lt3A_11 : i32
    %convert_element_type3A = arith.extui %lt3A_12 : i1 to i32
    %cond3A = arith.constant 0 : i32
    %cond3A_13 = arith.cmpi ne, %convert_element_type3A, %cond3A : i32
    scf.if %cond3A_13 {
      tpu.enqueue_dma source(%arg2 : memref<10000xf32, #tpu.memory_space<hbm>>) target(%arg5 : memref<10000xf32, #tpu.memory_space<vmem>>) target_semaphore(%arg9 : memref<!tpu.dma_semaphore, #tpu.memory_space<semaphore_mem>>)
      %dma_start3A = arith.constant 0 : i32
      %dma_start3A_18 = arith.constant 0 : i32
      %dma_start3A_19 = tpu.memref_slice %arg6[%dma_start3A, %dma_start3A_18] : memref<2x10112xi32, #tpu.memory_space<vmem>> -> memref<2x4992xi32, #tpu.memory_space<vmem>>
      %dma_start3A_20 = arith.constant 0 : i32
      %dma_start3A_21 = tpu.memref_slice %arg3[%dma_start3A_20, %mul3A_10] : memref<2x320000xi32, #tpu.memory_space<hbm>> -> memref<2x4992xi32, #tpu.memory_space<hbm>>
      %dma_start3A_22 = arith.constant 0 : i32
      %dma_start3A_23 = arith.constant 0 : i32
      %dma_start3A_24 = tpu.memref_slice %arg6[%dma_start3A_22, %dma_start3A_23] : memref<2x10112xi32, #tpu.memory_space<vmem>> -> memref<2x4992xi32, #tpu.memory_space<vmem>>
      %dma_start3A_25 = arith.constant 0 : i32
      %dma_start3A_26 = tpu.memref_slice %arg3[%dma_start3A_25, %mul3A_10] : memref<2x320000xi32, #tpu.memory_space<hbm>> -> memref<2x4992xi32, #tpu.memory_space<hbm>>
      tpu.enqueue_dma source(%dma_start3A_26 : memref<2x4992xi32, #tpu.memory_space<hbm>>) target(%dma_start3A_24 : memref<2x4992xi32, #tpu.memory_space<vmem>>) target_semaphore(%arg10 : memref<!tpu.dma_semaphore, #tpu.memory_space<semaphore_mem>>)
      %add3A_27 = arith.constant 4992 : i32
      %add3A_28 = arith.addi %mul3A_10, %add3A_27 : i32
      %dma_start3A_29 = arith.constant 0 : i32
      %dma_start3A_30 = arith.constant 4992 : i32
      %dma_start3A_31 = tpu.memref_slice %arg6[%dma_start3A_29, %dma_start3A_30] : memref<2x10112xi32, #tpu.memory_space<vmem>> -> memref<2x5120xi32, #tpu.memory_space<vmem>>
      %dma_start3A_32 = arith.constant 0 : i32
      %dma_start3A_33 = tpu.memref_slice %arg3[%dma_start3A_32, %add3A_28] : memref<2x320000xi32, #tpu.memory_space<hbm>> -> memref<2x5120xi32, #tpu.memory_space<hbm>>
      %dma_start3A_34 = arith.constant 0 : i32
      %dma_start3A_35 = arith.constant 4992 : i32
      %dma_start3A_36 = tpu.memref_slice %arg6[%dma_start3A_34, %dma_start3A_35] : memref<2x10112xi32, #tpu.memory_space<vmem>> -> memref<2x5120xi32, #tpu.memory_space<vmem>>
      %dma_start3A_37 = arith.constant 0 : i32
      %dma_start3A_38 = tpu.memref_slice %arg3[%dma_start3A_37, %add3A_28] : memref<2x320000xi32, #tpu.memory_space<hbm>> -> memref<2x5120xi32, #tpu.memory_space<hbm>>
      tpu.enqueue_dma source(%dma_start3A_38 : memref<2x5120xi32, #tpu.memory_space<hbm>>) target(%dma_start3A_36 : memref<2x5120xi32, #tpu.memory_space<vmem>>) target_semaphore(%arg11 : memref<!tpu.dma_semaphore, #tpu.memory_space<semaphore_mem>>)
      tpu.wait_dma2 semaphore(%arg9 : memref<!tpu.dma_semaphore, #tpu.memory_space<semaphore_mem>>) src(%arg2 : memref<10000xf32, #tpu.memory_space<hbm>>) dst(%arg5 : memref<10000xf32, #tpu.memory_space<vmem>>)
      %dma_wait3A = arith.constant 0 : i32
      %dma_wait3A_39 = arith.constant 0 : i32
      %dma_wait3A_40 = tpu.memref_slice %arg6[%dma_wait3A, %dma_wait3A_39] : memref<2x10112xi32, #tpu.memory_space<vmem>> -> memref<2x4992xi32, #tpu.memory_space<vmem>>
      %dma_wait3A_41 = arith.constant 0 : i32
      %dma_wait3A_42 = tpu.memref_slice %arg3[%dma_wait3A_41, %mul3A_10] : memref<2x320000xi32, #tpu.memory_space<hbm>> -> memref<2x4992xi32, #tpu.memory_space<hbm>>
      %dma_wait3A_43 = arith.constant 0 : i32
      %dma_wait3A_44 = arith.constant 0 : i32
      %dma_wait3A_45 = tpu.memref_slice %arg6[%dma_wait3A_43, %dma_wait3A_44] : memref<2x10112xi32, #tpu.memory_space<vmem>> -> memref<2x4992xi32, #tpu.memory_space<vmem>>
      %dma_wait3A_46 = arith.constant 0 : i32
      %dma_wait3A_47 = tpu.memref_slice %arg3[%dma_wait3A_46, %mul3A_10] : memref<2x320000xi32, #tpu.memory_space<hbm>> -> memref<2x4992xi32, #tpu.memory_space<hbm>>
      tpu.wait_dma2 semaphore(%arg10 : memref<!tpu.dma_semaphore, #tpu.memory_space<semaphore_mem>>) src(%dma_wait3A_47 : memref<2x4992xi32, #tpu.memory_space<hbm>>) dst(%dma_wait3A_45 : memref<2x4992xi32, #tpu.memory_space<vmem>>)
      %parallel_loop3A = arith.constant 0 : i32
      %parallel_loop3A_48 = arith.constant 312 : i32
      %parallel_loop3A_49 = arith.constant 1 : i32
      scf.for %parallel_loop3A_94 = %parallel_loop3A to %parallel_loop3A_48 step %parallel_loop3A_49  : i32 {
        %parallel_loop3A_95 = arith.constant 16 : i32
        %parallel_loop3A_96 = arith.muli %parallel_loop3A_94, %parallel_loop3A_95 : i32
        %parallel_loop3A_97 = arith.constant 0 : i32
        %parallel_loop3A_98 = arith.index_cast %parallel_loop3A_97 : i32 to index
        %parallel_loop3A_99 = arith.index_cast %parallel_loop3A_96 : i32 to index
        %parallel_loop3A_100 = tpu.vector_load %arg6[%parallel_loop3A_98, %parallel_loop3A_99] {strides = array<i32>} : memref<2x10112xi32, #tpu.memory_space<vmem>>, vector<16xi32>,
        %parallel_loop3A_101 = tpu.vector_load_idx %arg5[%parallel_loop3A_100] : memref<10000xf32, #tpu.memory_space<vmem>>[vector<16xi32>], vector<16xf32>,
        %parallel_loop3A_102 = arith.constant 16 : i32
        %parallel_loop3A_103 = arith.muli %parallel_loop3A_94, %parallel_loop3A_102 : i32
        %parallel_loop3A_104 = arith.constant 1 : i32
        %parallel_loop3A_105 = arith.index_cast %parallel_loop3A_104 : i32 to index
        %parallel_loop3A_106 = arith.index_cast %parallel_loop3A_103 : i32 to index
        %parallel_loop3A_107 = tpu.vector_load %arg6[%parallel_loop3A_105, %parallel_loop3A_106] {strides = array<i32>} : memref<2x10112xi32, #tpu.memory_space<vmem>>, vector<16xi32>,
        %parallel_loop3A_108 = tpu.vector_load_idx %arg5[%parallel_loop3A_107] : memref<10000xf32, #tpu.memory_space<vmem>>[vector<16xi32>], vector<16xf32>,
        %parallel_loop3A_109 = arith.mulf %parallel_loop3A_101, %parallel_loop3A_108 : vector<16xf32>
        %parallel_loop3A_110 = arith.constant 16 : i32
        %parallel_loop3A_111 = arith.muli %parallel_loop3A_94, %parallel_loop3A_110 : i32
        %parallel_loop3A_112 = arith.index_cast %parallel_loop3A_111 : i32 to index
        %parallel_loop3A_113 = tpu.vector_load %arg7[%parallel_loop3A_112] {strides = array<i32>} : memref<10112xf32, #tpu.memory_space<vmem>>, vector<16xf32>,
        tpu.vector_store %arg7[%parallel_loop3A_112], %parallel_loop3A_109 {strides = array<i32>} : memref<10112xf32, #tpu.memory_space<vmem>>, vector<16xf32>,
      } {sc.loop_unroll_factor = 16 : i64, sc.parallel_access}
      %dma_start3A_50 = arith.constant 0 : i32
      %dma_start3A_51 = tpu.memref_slice %arg7[%dma_start3A_50] : memref<10112xf32, #tpu.memory_space<vmem>> -> memref<4992xf32, #tpu.memory_space<vmem>>
      %dma_start3A_52 = tpu.memref_slice %arg4[%mul3A_10] : memref<330000xf32, #tpu.memory_space<hbm>> -> memref<4992xf32, #tpu.memory_space<hbm>>
      %dma_start3A_53 = tpu.memref_slice %arg4[%mul3A_10] : memref<330000xf32, #tpu.memory_space<hbm>> -> memref<4992xf32, #tpu.memory_space<hbm>>
      %dma_start3A_54 = arith.constant 0 : i32
      %dma_start3A_55 = tpu.memref_slice %arg7[%dma_start3A_54] : memref<10112xf32, #tpu.memory_space<vmem>> -> memref<4992xf32, #tpu.memory_space<vmem>>
      tpu.enqueue_dma source(%dma_start3A_55 : memref<4992xf32, #tpu.memory_space<vmem>>) target(%dma_start3A_53 : memref<4992xf32, #tpu.memory_space<hbm>>) target_semaphore(%arg12 : memref<!tpu.dma_semaphore, #tpu.memory_space<semaphore_mem>>)
      %dma_wait3A_56 = arith.constant 0 : i32
      %dma_wait3A_57 = arith.constant 4992 : i32
      %dma_wait3A_58 = tpu.memref_slice %arg6[%dma_wait3A_56, %dma_wait3A_57] : memref<2x10112xi32, #tpu.memory_space<vmem>> -> memref<2x5120xi32, #tpu.memory_space<vmem>>
      %dma_wait3A_59 = arith.constant 0 : i32
      %dma_wait3A_60 = tpu.memref_slice %arg3[%dma_wait3A_59, %add3A_28] : memref<2x320000xi32, #tpu.memory_space<hbm>> -> memref<2x5120xi32, #tpu.memory_space<hbm>>
      %dma_wait3A_61 = arith.constant 0 : i32
      %dma_wait3A_62 = arith.constant 4992 : i32
      %dma_wait3A_63 = tpu.memref_slice %arg6[%dma_wait3A_61, %dma_wait3A_62] : memref<2x10112xi32, #tpu.memory_space<vmem>> -> memref<2x5120xi32, #tpu.memory_space<vmem>>
      %dma_wait3A_64 = arith.constant 0 : i32
      %dma_wait3A_65 = tpu.memref_slice %arg3[%dma_wait3A_64, %add3A_28] : memref<2x320000xi32, #tpu.memory_space<hbm>> -> memref<2x5120xi32, #tpu.memory_space<hbm>>
      tpu.wait_dma2 semaphore(%arg11 : memref<!tpu.dma_semaphore, #tpu.memory_space<semaphore_mem>>) src(%dma_wait3A_65 : memref<2x5120xi32, #tpu.memory_space<hbm>>) dst(%dma_wait3A_63 : memref<2x5120xi32, #tpu.memory_space<vmem>>)
      %parallel_loop3A_66 = arith.constant 312 : i32
      %parallel_loop3A_67 = arith.constant 632 : i32
      %parallel_loop3A_68 = arith.constant 1 : i32
      scf.for %parallel_loop3A_94 = %parallel_loop3A_66 to %parallel_loop3A_67 step %parallel_loop3A_68  : i32 {
        %parallel_loop3A_95 = arith.constant 16 : i32
        %parallel_loop3A_96 = arith.muli %parallel_loop3A_94, %parallel_loop3A_95 : i32
        %parallel_loop3A_97 = arith.constant 0 : i32
        %parallel_loop3A_98 = arith.index_cast %parallel_loop3A_97 : i32 to index
        %parallel_loop3A_99 = arith.index_cast %parallel_loop3A_96 : i32 to index
        %parallel_loop3A_100 = tpu.vector_load %arg6[%parallel_loop3A_98, %parallel_loop3A_99] {strides = array<i32>} : memref<2x10112xi32, #tpu.memory_space<vmem>>, vector<16xi32>,
        %parallel_loop3A_101 = tpu.vector_load_idx %arg5[%parallel_loop3A_100] : memref<10000xf32, #tpu.memory_space<vmem>>[vector<16xi32>], vector<16xf32>,
        %parallel_loop3A_102 = arith.constant 16 : i32
        %parallel_loop3A_103 = arith.muli %parallel_loop3A_94, %parallel_loop3A_102 : i32
        %parallel_loop3A_104 = arith.constant 1 : i32
        %parallel_loop3A_105 = arith.index_cast %parallel_loop3A_104 : i32 to index
        %parallel_loop3A_106 = arith.index_cast %parallel_loop3A_103 : i32 to index
        %parallel_loop3A_107 = tpu.vector_load %arg6[%parallel_loop3A_105, %parallel_loop3A_106] {strides = array<i32>} : memref<2x10112xi32, #tpu.memory_space<vmem>>, vector<16xi32>,
        %parallel_loop3A_108 = tpu.vector_load_idx %arg5[%parallel_loop3A_107] : memref<10000xf32, #tpu.memory_space<vmem>>[vector<16xi32>], vector<16xf32>,
        %parallel_loop3A_109 = arith.mulf %parallel_loop3A_101, %parallel_loop3A_108 : vector<16xf32>
        %parallel_loop3A_110 = arith.constant 16 : i32
        %parallel_loop3A_111 = arith.muli %parallel_loop3A_94, %parallel_loop3A_110 : i32
        %parallel_loop3A_112 = arith.index_cast %parallel_loop3A_111 : i32 to index
        %parallel_loop3A_113 = tpu.vector_load %arg7[%parallel_loop3A_112] {strides = array<i32>} : memref<10112xf32, #tpu.memory_space<vmem>>, vector<16xf32>,
        tpu.vector_store %arg7[%parallel_loop3A_112], %parallel_loop3A_109 {strides = array<i32>} : memref<10112xf32, #tpu.memory_space<vmem>>, vector<16xf32>,
      } {sc.loop_unroll_factor = 16 : i64, sc.parallel_access}
      %add3A_69 = arith.constant 4992 : i32
      %add3A_70 = arith.addi %mul3A_10, %add3A_69 : i32
      %dma_start3A_71 = arith.constant 4992 : i32
      %dma_start3A_72 = tpu.memref_slice %arg7[%dma_start3A_71] : memref<10112xf32, #tpu.memory_space<vmem>> -> memref<5120xf32, #tpu.memory_space<vmem>>
      %dma_start3A_73 = tpu.memref_slice %arg4[%add3A_70] : memref<330000xf32, #tpu.memory_space<hbm>> -> memref<5120xf32, #tpu.memory_space<hbm>>
      %dma_start3A_74 = tpu.memref_slice %arg4[%add3A_70] : memref<330000xf32, #tpu.memory_space<hbm>> -> memref<5120xf32, #tpu.memory_space<hbm>>
      %dma_start3A_75 = arith.constant 4992 : i32
      %dma_start3A_76 = tpu.memref_slice %arg7[%dma_start3A_75] : memref<10112xf32, #tpu.memory_space<vmem>> -> memref<5120xf32, #tpu.memory_space<vmem>>
      tpu.enqueue_dma source(%dma_start3A_76 : memref<5120xf32, #tpu.memory_space<vmem>>) target(%dma_start3A_74 : memref<5120xf32, #tpu.memory_space<hbm>>) target_semaphore(%arg12 : memref<!tpu.dma_semaphore, #tpu.memory_space<semaphore_mem>>)
      %lt3A_77 = arith.constant 25 : i32
      %lt3A_78 = arith.cmpi slt, %add3A, %lt3A_77 : i32
      %convert_element_type3A_79 = arith.extui %lt3A_78 : i1 to i32
      %cond3A_80 = arith.constant 0 : i32
      %cond3A_81 = arith.cmpi ne, %convert_element_type3A_79, %cond3A_80 : i32
      scf.if %cond3A_81 {
        %mul3A_94 = arith.constant 400 : i32
        %mul3A_95 = arith.muli %add3A, %mul3A_94 : i32
        %scan3A = arith.constant 0 : i32
        %scan3A_96 = arith.constant 0 : i32
        %scan3A_97 = arith.constant 25 : i32
        %scan3A_98 = arith.addi %scan3A_96, %scan3A_97 : i32
        %scan3A_99 = arith.constant 1 : i32
        scf.for %scan3A_103 = %scan3A_96 to %scan3A_98 step %scan3A_99  : i32 {
          %mul3A_104 = arith.constant 16 : i32
          %mul3A_105 = arith.muli %scan3A_103, %mul3A_104 : i32
          %add3A_106 = arith.addi %mul3A_95, %mul3A_105 : i32
          %get3A = arith.index_cast %add3A_106 : i32 to index
          %get3A_107 = tpu.vector_load %arg5[%get3A] {strides = array<i32>} : memref<10000xf32, #tpu.memory_space<vmem>>, vector<16xf32>,
          %mul3A_108 = arith.mulf %get3A_107, %get3A_107 : vector<16xf32>
          %mul3A_109 = arith.constant 16 : i32
          %mul3A_110 = arith.muli %scan3A_103, %mul3A_109 : i32
          %swap3A = arith.index_cast %mul3A_110 : i32 to index
          %swap3A_111 = tpu.vector_load %arg8[%swap3A] {strides = array<i32>} : memref<400xf32, #tpu.memory_space<vmem>>, vector<16xf32>,
          tpu.vector_store %arg8[%swap3A], %mul3A_108 {strides = array<i32>} : memref<400xf32, #tpu.memory_space<vmem>>, vector<16xf32>,
        }
        %scan3A_100 = arith.constant 25 : i32
        %add3A_101 = arith.constant 320000 : i32
        %add3A_102 = arith.addi %add3A_101, %mul3A_95 : i32
        "tpu.region"() ({
          %run_scoped3A = tpu.sem_alloc : memref<!tpu.dma_semaphore, #tpu.memory_space<semaphore_mem>>
          %dma_start3A_103 = tpu.memref_slice %arg4[%add3A_102] : memref<330000xf32, #tpu.memory_space<hbm>> -> memref<400xf32, #tpu.memory_space<hbm>>
          %dma_start3A_104 = tpu.memref_slice %arg4[%add3A_102] : memref<330000xf32, #tpu.memory_space<hbm>> -> memref<400xf32, #tpu.memory_space<hbm>>
          tpu.enqueue_dma source(%arg8 : memref<400xf32, #tpu.memory_space<vmem>>) target(%dma_start3A_104 : memref<400xf32, #tpu.memory_space<hbm>>) target_semaphore(%run_scoped3A : memref<!tpu.dma_semaphore, #tpu.memory_space<semaphore_mem>>)
          %dma_wait3A_105 = tpu.memref_slice %arg4[%add3A_102] : memref<330000xf32, #tpu.memory_space<hbm>> -> memref<400xf32, #tpu.memory_space<hbm>>
          %dma_wait3A_106 = tpu.memref_slice %arg4[%add3A_102] : memref<330000xf32, #tpu.memory_space<hbm>> -> memref<400xf32, #tpu.memory_space<hbm>>
          tpu.wait_dma2 semaphore(%run_scoped3A : memref<!tpu.dma_semaphore, #tpu.memory_space<semaphore_mem>>) src(%arg8 : memref<400xf32, #tpu.memory_space<vmem>>) dst(%dma_wait3A_106 : memref<400xf32, #tpu.memory_space<hbm>>)
          tpu.yield
        }) : () -> ()
      } else {
      }
      %dma_wait3A_82 = arith.constant 0 : i32
      %dma_wait3A_83 = tpu.memref_slice %arg7[%dma_wait3A_82] : memref<10112xf32, #tpu.memory_space<vmem>> -> memref<4992xf32, #tpu.memory_space<vmem>>
      %dma_wait3A_84 = tpu.memref_slice %arg4[%mul3A_10] : memref<330000xf32, #tpu.memory_space<hbm>> -> memref<4992xf32, #tpu.memory_space<hbm>>
      %dma_wait3A_85 = tpu.memref_slice %arg4[%mul3A_10] : memref<330000xf32, #tpu.memory_space<hbm>> -> memref<4992xf32, #tpu.memory_space<hbm>>
      %dma_wait3A_86 = arith.constant 0 : i32
      %dma_wait3A_87 = tpu.memref_slice %arg7[%dma_wait3A_86] : memref<10112xf32, #tpu.memory_space<vmem>> -> memref<4992xf32, #tpu.memory_space<vmem>>
      tpu.wait_dma2 semaphore(%arg12 : memref<!tpu.dma_semaphore, #tpu.memory_space<semaphore_mem>>) src(%dma_wait3A_87 : memref<4992xf32, #tpu.memory_space<vmem>>) dst(%dma_wait3A_85 : memref<4992xf32, #tpu.memory_space<hbm>>)
      %dma_wait3A_88 = arith.constant 4992 : i32
      %dma_wait3A_89 = tpu.memref_slice %arg7[%dma_wait3A_88] : memref<10112xf32, #tpu.memory_space<vmem>> -> memref<5120xf32, #tpu.memory_space<vmem>>
      %dma_wait3A_90 = tpu.memref_slice %arg4[%add3A_70] : memref<330000xf32, #tpu.memory_space<hbm>> -> memref<5120xf32, #tpu.memory_space<hbm>>
      %dma_wait3A_91 = tpu.memref_slice %arg4[%add3A_70] : memref<330000xf32, #tpu.memory_space<hbm>> -> memref<5120xf32, #tpu.memory_space<hbm>>
      %dma_wait3A_92 = arith.constant 4992 : i32
      %dma_wait3A_93 = tpu.memref_slice %arg7[%dma_wait3A_92] : memref<10112xf32, #tpu.memory_space<vmem>> -> memref<5120xf32, #tpu.memory_space<vmem>>
      tpu.wait_dma2 semaphore(%arg12 : memref<!tpu.dma_semaphore, #tpu.memory_space<semaphore_mem>>) src(%dma_wait3A_93 : memref<5120xf32, #tpu.memory_space<vmem>>) dst(%dma_wait3A_91 : memref<5120xf32, #tpu.memory_space<hbm>>)
    } else {
    }
    %ge3A = arith.constant 4 : i32
    %ge3A_14 = arith.cmpi sge, %add3A, %ge3A : i32
    %convert_element_type3A_15 = arith.extui %ge3A_14 : i1 to i32
    %cond3A_16 = arith.constant 0 : i32
    %cond3A_17 = arith.cmpi ne, %convert_element_type3A_15, %cond3A_16 : i32
    scf.if %cond3A_17 {
      tpu.enqueue_dma source(%arg2 : memref<10000xf32, #tpu.memory_space<hbm>>) target(%arg5 : memref<10000xf32, #tpu.memory_space<vmem>>) target_semaphore(%arg9 : memref<!tpu.dma_semaphore, #tpu.memory_space<semaphore_mem>>)
      %dma_start3A = arith.constant 0 : i32
      %dma_start3A_18 = arith.constant 0 : i32
      %dma_start3A_19 = tpu.memref_slice %arg6[%dma_start3A, %dma_start3A_18] : memref<2x10112xi32, #tpu.memory_space<vmem>> -> memref<2x4992xi32, #tpu.memory_space<vmem>>
      %dma_start3A_20 = arith.constant 0 : i32
      %dma_start3A_21 = tpu.memref_slice %arg3[%dma_start3A_20, %mul3A_10] : memref<2x320000xi32, #tpu.memory_space<hbm>> -> memref<2x4992xi32, #tpu.memory_space<hbm>>
      %dma_start3A_22 = arith.constant 0 : i32
      %dma_start3A_23 = arith.constant 0 : i32
      %dma_start3A_24 = tpu.memref_slice %arg6[%dma_start3A_22, %dma_start3A_23] : memref<2x10112xi32, #tpu.memory_space<vmem>> -> memref<2x4992xi32, #tpu.memory_space<vmem>>
      %dma_start3A_25 = arith.constant 0 : i32
      %dma_start3A_26 = tpu.memref_slice %arg3[%dma_start3A_25, %mul3A_10] : memref<2x320000xi32, #tpu.memory_space<hbm>> -> memref<2x4992xi32, #tpu.memory_space<hbm>>
      tpu.enqueue_dma source(%dma_start3A_26 : memref<2x4992xi32, #tpu.memory_space<hbm>>) target(%dma_start3A_24 : memref<2x4992xi32, #tpu.memory_space<vmem>>) target_semaphore(%arg10 : memref<!tpu.dma_semaphore, #tpu.memory_space<semaphore_mem>>)
      %add3A_27 = arith.constant 4992 : i32
      %add3A_28 = arith.addi %mul3A_10, %add3A_27 : i32
      %dma_start3A_29 = arith.constant 0 : i32
      %dma_start3A_30 = arith.constant 4992 : i32
      %dma_start3A_31 = tpu.memref_slice %arg6[%dma_start3A_29, %dma_start3A_30] : memref<2x10112xi32, #tpu.memory_space<vmem>> -> memref<2x4992xi32, #tpu.memory_space<vmem>>
      %dma_start3A_32 = arith.constant 0 : i32
      %dma_start3A_33 = tpu.memref_slice %arg3[%dma_start3A_32, %add3A_28] : memref<2x320000xi32, #tpu.memory_space<hbm>> -> memref<2x4992xi32, #tpu.memory_space<hbm>>
      %dma_start3A_34 = arith.constant 0 : i32
      %dma_start3A_35 = arith.constant 4992 : i32
      %dma_start3A_36 = tpu.memref_slice %arg6[%dma_start3A_34, %dma_start3A_35] : memref<2x10112xi32, #tpu.memory_space<vmem>> -> memref<2x4992xi32, #tpu.memory_space<vmem>>
      %dma_start3A_37 = arith.constant 0 : i32
      %dma_start3A_38 = tpu.memref_slice %arg3[%dma_start3A_37, %add3A_28] : memref<2x320000xi32, #tpu.memory_space<hbm>> -> memref<2x4992xi32, #tpu.memory_space<hbm>>
      tpu.enqueue_dma source(%dma_start3A_38 : memref<2x4992xi32, #tpu.memory_space<hbm>>) target(%dma_start3A_36 : memref<2x4992xi32, #tpu.memory_space<vmem>>) target_semaphore(%arg11 : memref<!tpu.dma_semaphore, #tpu.memory_space<semaphore_mem>>)
      tpu.wait_dma2 semaphore(%arg9 : memref<!tpu.dma_semaphore, #tpu.memory_space<semaphore_mem>>) src(%arg2 : memref<10000xf32, #tpu.memory_space<hbm>>) dst(%arg5 : memref<10000xf32, #tpu.memory_space<vmem>>)
      %dma_wait3A = arith.constant 0 : i32
      %dma_wait3A_39 = arith.constant 0 : i32
      %dma_wait3A_40 = tpu.memref_slice %arg6[%dma_wait3A, %dma_wait3A_39] : memref<2x10112xi32, #tpu.memory_space<vmem>> -> memref<2x4992xi32, #tpu.memory_space<vmem>>
      %dma_wait3A_41 = arith.constant 0 : i32
      %dma_wait3A_42 = tpu.memref_slice %arg3[%dma_wait3A_41, %mul3A_10] : memref<2x320000xi32, #tpu.memory_space<hbm>> -> memref<2x4992xi32, #tpu.memory_space<hbm>>
      %dma_wait3A_43 = arith.constant 0 : i32
      %dma_wait3A_44 = arith.constant 0 : i32
      %dma_wait3A_45 = tpu.memref_slice %arg6[%dma_wait3A_43, %dma_wait3A_44] : memref<2x10112xi32, #tpu.memory_space<vmem>> -> memref<2x4992xi32, #tpu.memory_space<vmem>>
      %dma_wait3A_46 = arith.constant 0 : i32
      %dma_wait3A_47 = tpu.memref_slice %arg3[%dma_wait3A_46, %mul3A_10] : memref<2x320000xi32, #tpu.memory_space<hbm>> -> memref<2x4992xi32, #tpu.memory_space<hbm>>
      tpu.wait_dma2 semaphore(%arg10 : memref<!tpu.dma_semaphore, #tpu.memory_space<semaphore_mem>>) src(%dma_wait3A_47 : memref<2x4992xi32, #tpu.memory_space<hbm>>) dst(%dma_wait3A_45 : memref<2x4992xi32, #tpu.memory_space<vmem>>)
      %parallel_loop3A = arith.constant 0 : i32
      %parallel_loop3A_48 = arith.constant 312 : i32
      %parallel_loop3A_49 = arith.constant 1 : i32
      scf.for %parallel_loop3A_94 = %parallel_loop3A to %parallel_loop3A_48 step %parallel_loop3A_49  : i32 {
        %parallel_loop3A_95 = arith.constant 16 : i32
        %parallel_loop3A_96 = arith.muli %parallel_loop3A_94, %parallel_loop3A_95 : i32
        %parallel_loop3A_97 = arith.constant 0 : i32
        %parallel_loop3A_98 = arith.index_cast %parallel_loop3A_97 : i32 to index
        %parallel_loop3A_99 = arith.index_cast %parallel_loop3A_96 : i32 to index
        %parallel_loop3A_100 = tpu.vector_load %arg6[%parallel_loop3A_98, %parallel_loop3A_99] {strides = array<i32>} : memref<2x10112xi32, #tpu.memory_space<vmem>>, vector<16xi32>,
        %parallel_loop3A_101 = tpu.vector_load_idx %arg5[%parallel_loop3A_100] : memref<10000xf32, #tpu.memory_space<vmem>>[vector<16xi32>], vector<16xf32>,
        %parallel_loop3A_102 = arith.constant 16 : i32
        %parallel_loop3A_103 = arith.muli %parallel_loop3A_94, %parallel_loop3A_102 : i32
        %parallel_loop3A_104 = arith.constant 1 : i32
        %parallel_loop3A_105 = arith.index_cast %parallel_loop3A_104 : i32 to index
        %parallel_loop3A_106 = arith.index_cast %parallel_loop3A_103 : i32 to index
        %parallel_loop3A_107 = tpu.vector_load %arg6[%parallel_loop3A_105, %parallel_loop3A_106] {strides = array<i32>} : memref<2x10112xi32, #tpu.memory_space<vmem>>, vector<16xi32>,
        %parallel_loop3A_108 = tpu.vector_load_idx %arg5[%parallel_loop3A_107] : memref<10000xf32, #tpu.memory_space<vmem>>[vector<16xi32>], vector<16xf32>,
        %parallel_loop3A_109 = arith.mulf %parallel_loop3A_101, %parallel_loop3A_108 : vector<16xf32>
        %parallel_loop3A_110 = arith.constant 16 : i32
        %parallel_loop3A_111 = arith.muli %parallel_loop3A_94, %parallel_loop3A_110 : i32
        %parallel_loop3A_112 = arith.index_cast %parallel_loop3A_111 : i32 to index
        %parallel_loop3A_113 = tpu.vector_load %arg7[%parallel_loop3A_112] {strides = array<i32>} : memref<10112xf32, #tpu.memory_space<vmem>>, vector<16xf32>,
        tpu.vector_store %arg7[%parallel_loop3A_112], %parallel_loop3A_109 {strides = array<i32>} : memref<10112xf32, #tpu.memory_space<vmem>>, vector<16xf32>,
      } {sc.loop_unroll_factor = 16 : i64, sc.parallel_access}
      %dma_start3A_50 = arith.constant 0 : i32
      %dma_start3A_51 = tpu.memref_slice %arg7[%dma_start3A_50] : memref<10112xf32, #tpu.memory_space<vmem>> -> memref<4992xf32, #tpu.memory_space<vmem>>
      %dma_start3A_52 = tpu.memref_slice %arg4[%mul3A_10] : memref<330000xf32, #tpu.memory_space<hbm>> -> memref<4992xf32, #tpu.memory_space<hbm>>
      %dma_start3A_53 = tpu.memref_slice %arg4[%mul3A_10] : memref<330000xf32, #tpu.memory_space<hbm>> -> memref<4992xf32, #tpu.memory_space<hbm>>
      %dma_start3A_54 = arith.constant 0 : i32
      %dma_start3A_55 = tpu.memref_slice %arg7[%dma_start3A_54] : memref<10112xf32, #tpu.memory_space<vmem>> -> memref<4992xf32, #tpu.memory_space<vmem>>
      tpu.enqueue_dma source(%dma_start3A_55 : memref<4992xf32, #tpu.memory_space<vmem>>) target(%dma_start3A_53 : memref<4992xf32, #tpu.memory_space<hbm>>) target_semaphore(%arg12 : memref<!tpu.dma_semaphore, #tpu.memory_space<semaphore_mem>>)
      %dma_wait3A_56 = arith.constant 0 : i32
      %dma_wait3A_57 = arith.constant 4992 : i32
      %dma_wait3A_58 = tpu.memref_slice %arg6[%dma_wait3A_56, %dma_wait3A_57] : memref<2x10112xi32, #tpu.memory_space<vmem>> -> memref<2x4992xi32, #tpu.memory_space<vmem>>
      %dma_wait3A_59 = arith.constant 0 : i32
      %dma_wait3A_60 = tpu.memref_slice %arg3[%dma_wait3A_59, %add3A_28] : memref<2x320000xi32, #tpu.memory_space<hbm>> -> memref<2x4992xi32, #tpu.memory_space<hbm>>
      %dma_wait3A_61 = arith.constant 0 : i32
      %dma_wait3A_62 = arith.constant 4992 : i32
      %dma_wait3A_63 = tpu.memref_slice %arg6[%dma_wait3A_61, %dma_wait3A_62] : memref<2x10112xi32, #tpu.memory_space<vmem>> -> memref<2x4992xi32, #tpu.memory_space<vmem>>
      %dma_wait3A_64 = arith.constant 0 : i32
      %dma_wait3A_65 = tpu.memref_slice %arg3[%dma_wait3A_64, %add3A_28] : memref<2x320000xi32, #tpu.memory_space<hbm>> -> memref<2x4992xi32, #tpu.memory_space<hbm>>
      tpu.wait_dma2 semaphore(%arg11 : memref<!tpu.dma_semaphore, #tpu.memory_space<semaphore_mem>>) src(%dma_wait3A_65 : memref<2x4992xi32, #tpu.memory_space<hbm>>) dst(%dma_wait3A_63 : memref<2x4992xi32, #tpu.memory_space<vmem>>)
      %parallel_loop3A_66 = arith.constant 312 : i32
      %parallel_loop3A_67 = arith.constant 624 : i32
      %parallel_loop3A_68 = arith.constant 1 : i32
      scf.for %parallel_loop3A_94 = %parallel_loop3A_66 to %parallel_loop3A_67 step %parallel_loop3A_68  : i32 {
        %parallel_loop3A_95 = arith.constant 16 : i32
        %parallel_loop3A_96 = arith.muli %parallel_loop3A_94, %parallel_loop3A_95 : i32
        %parallel_loop3A_97 = arith.constant 0 : i32
        %parallel_loop3A_98 = arith.index_cast %parallel_loop3A_97 : i32 to index
        %parallel_loop3A_99 = arith.index_cast %parallel_loop3A_96 : i32 to index
        %parallel_loop3A_100 = tpu.vector_load %arg6[%parallel_loop3A_98, %parallel_loop3A_99] {strides = array<i32>} : memref<2x10112xi32, #tpu.memory_space<vmem>>, vector<16xi32>,
        %parallel_loop3A_101 = tpu.vector_load_idx %arg5[%parallel_loop3A_100] : memref<10000xf32, #tpu.memory_space<vmem>>[vector<16xi32>], vector<16xf32>,
        %parallel_loop3A_102 = arith.constant 16 : i32
        %parallel_loop3A_103 = arith.muli %parallel_loop3A_94, %parallel_loop3A_102 : i32
        %parallel_loop3A_104 = arith.constant 1 : i32
        %parallel_loop3A_105 = arith.index_cast %parallel_loop3A_104 : i32 to index
        %parallel_loop3A_106 = arith.index_cast %parallel_loop3A_103 : i32 to index
        %parallel_loop3A_107 = tpu.vector_load %arg6[%parallel_loop3A_105, %parallel_loop3A_106] {strides = array<i32>} : memref<2x10112xi32, #tpu.memory_space<vmem>>, vector<16xi32>,
        %parallel_loop3A_108 = tpu.vector_load_idx %arg5[%parallel_loop3A_107] : memref<10000xf32, #tpu.memory_space<vmem>>[vector<16xi32>], vector<16xf32>,
        %parallel_loop3A_109 = arith.mulf %parallel_loop3A_101, %parallel_loop3A_108 : vector<16xf32>
        %parallel_loop3A_110 = arith.constant 16 : i32
        %parallel_loop3A_111 = arith.muli %parallel_loop3A_94, %parallel_loop3A_110 : i32
        %parallel_loop3A_112 = arith.index_cast %parallel_loop3A_111 : i32 to index
        %parallel_loop3A_113 = tpu.vector_load %arg7[%parallel_loop3A_112] {strides = array<i32>} : memref<10112xf32, #tpu.memory_space<vmem>>, vector<16xf32>,
        tpu.vector_store %arg7[%parallel_loop3A_112], %parallel_loop3A_109 {strides = array<i32>} : memref<10112xf32, #tpu.memory_space<vmem>>, vector<16xf32>,
      } {sc.loop_unroll_factor = 16 : i64, sc.parallel_access}
      %add3A_69 = arith.constant 4992 : i32
      %add3A_70 = arith.addi %mul3A_10, %add3A_69 : i32
      %dma_start3A_71 = arith.constant 4992 : i32
      %dma_start3A_72 = tpu.memref_slice %arg7[%dma_start3A_71] : memref<10112xf32, #tpu.memory_space<vmem>> -> memref<4992xf32, #tpu.memory_space<vmem>>
      %dma_start3A_73 = tpu.memref_slice %arg4[%add3A_70] : memref<330000xf32, #tpu.memory_space<hbm>> -> memref<4992xf32, #tpu.memory_space<hbm>>
      %dma_start3A_74 = tpu.memref_slice %arg4[%add3A_70] : memref<330000xf32, #tpu.memory_space<hbm>> -> memref<4992xf32, #tpu.memory_space<hbm>>
      %dma_start3A_75 = arith.constant 4992 : i32
      %dma_start3A_76 = tpu.memref_slice %arg7[%dma_start3A_75] : memref<10112xf32, #tpu.memory_space<vmem>> -> memref<4992xf32, #tpu.memory_space<vmem>>
      tpu.enqueue_dma source(%dma_start3A_76 : memref<4992xf32, #tpu.memory_space<vmem>>) target(%dma_start3A_74 : memref<4992xf32, #tpu.memory_space<hbm>>) target_semaphore(%arg12 : memref<!tpu.dma_semaphore, #tpu.memory_space<semaphore_mem>>)
      %lt3A_77 = arith.constant 25 : i32
      %lt3A_78 = arith.cmpi slt, %add3A, %lt3A_77 : i32
      %convert_element_type3A_79 = arith.extui %lt3A_78 : i1 to i32
      %cond3A_80 = arith.constant 0 : i32
      %cond3A_81 = arith.cmpi ne, %convert_element_type3A_79, %cond3A_80 : i32
      scf.if %cond3A_81 {
        %mul3A_94 = arith.constant 400 : i32
        %mul3A_95 = arith.muli %add3A, %mul3A_94 : i32
        %scan3A = arith.constant 0 : i32
        %scan3A_96 = arith.constant 0 : i32
        %scan3A_97 = arith.constant 25 : i32
        %scan3A_98 = arith.addi %scan3A_96, %scan3A_97 : i32
        %scan3A_99 = arith.constant 1 : i32
        scf.for %scan3A_103 = %scan3A_96 to %scan3A_98 step %scan3A_99  : i32 {
          %mul3A_104 = arith.constant 16 : i32
          %mul3A_105 = arith.muli %scan3A_103, %mul3A_104 : i32
          %add3A_106 = arith.addi %mul3A_95, %mul3A_105 : i32
          %get3A = arith.index_cast %add3A_106 : i32 to index
          %get3A_107 = tpu.vector_load %arg5[%get3A] {strides = array<i32>} : memref<10000xf32, #tpu.memory_space<vmem>>, vector<16xf32>,
          %mul3A_108 = arith.mulf %get3A_107, %get3A_107 : vector<16xf32>
          %mul3A_109 = arith.constant 16 : i32
          %mul3A_110 = arith.muli %scan3A_103, %mul3A_109 : i32
          %swap3A = arith.index_cast %mul3A_110 : i32 to index
          %swap3A_111 = tpu.vector_load %arg8[%swap3A] {strides = array<i32>} : memref<400xf32, #tpu.memory_space<vmem>>, vector<16xf32>,
          tpu.vector_store %arg8[%swap3A], %mul3A_108 {strides = array<i32>} : memref<400xf32, #tpu.memory_space<vmem>>, vector<16xf32>,
        }
        %scan3A_100 = arith.constant 25 : i32
        %add3A_101 = arith.constant 320000 : i32
        %add3A_102 = arith.addi %add3A_101, %mul3A_95 : i32
        "tpu.region"() ({
          %run_scoped3A = tpu.sem_alloc : memref<!tpu.dma_semaphore, #tpu.memory_space<semaphore_mem>>
          %dma_start3A_103 = tpu.memref_slice %arg4[%add3A_102] : memref<330000xf32, #tpu.memory_space<hbm>> -> memref<400xf32, #tpu.memory_space<hbm>>
          %dma_start3A_104 = tpu.memref_slice %arg4[%add3A_102] : memref<330000xf32, #tpu.memory_space<hbm>> -> memref<400xf32, #tpu.memory_space<hbm>>
          tpu.enqueue_dma source(%arg8 : memref<400xf32, #tpu.memory_space<vmem>>) target(%dma_start3A_104 : memref<400xf32, #tpu.memory_space<hbm>>) target_semaphore(%run_scoped3A : memref<!tpu.dma_semaphore, #tpu.memory_space<semaphore_mem>>)
          %dma_wait3A_105 = tpu.memref_slice %arg4[%add3A_102] : memref<330000xf32, #tpu.memory_space<hbm>> -> memref<400xf32, #tpu.memory_space<hbm>>
          %dma_wait3A_106 = tpu.memref_slice %arg4[%add3A_102] : memref<330000xf32, #tpu.memory_space<hbm>> -> memref<400xf32, #tpu.memory_space<hbm>>
          tpu.wait_dma2 semaphore(%run_scoped3A : memref<!tpu.dma_semaphore, #tpu.memory_space<semaphore_mem>>) src(%arg8 : memref<400xf32, #tpu.memory_space<vmem>>) dst(%dma_wait3A_106 : memref<400xf32, #tpu.memory_space<hbm>>)
          tpu.yield
        }) : () -> ()
      } else {
      }
      %dma_wait3A_82 = arith.constant 0 : i32
      %dma_wait3A_83 = tpu.memref_slice %arg7[%dma_wait3A_82] : memref<10112xf32, #tpu.memory_space<vmem>> -> memref<4992xf32, #tpu.memory_space<vmem>>
      %dma_wait3A_84 = tpu.memref_slice %arg4[%mul3A_10] : memref<330000xf32, #tpu.memory_space<hbm>> -> memref<4992xf32, #tpu.memory_space<hbm>>
      %dma_wait3A_85 = tpu.memref_slice %arg4[%mul3A_10] : memref<330000xf32, #tpu.memory_space<hbm>> -> memref<4992xf32, #tpu.memory_space<hbm>>
      %dma_wait3A_86 = arith.constant 0 : i32
      %dma_wait3A_87 = tpu.memref_slice %arg7[%dma_wait3A_86] : memref<10112xf32, #tpu.memory_space<vmem>> -> memref<4992xf32, #tpu.memory_space<vmem>>
      tpu.wait_dma2 semaphore(%arg12 : memref<!tpu.dma_semaphore, #tpu.memory_space<semaphore_mem>>) src(%dma_wait3A_87 : memref<4992xf32, #tpu.memory_space<vmem>>) dst(%dma_wait3A_85 : memref<4992xf32, #tpu.memory_space<hbm>>)
      %dma_wait3A_88 = arith.constant 4992 : i32
      %dma_wait3A_89 = tpu.memref_slice %arg7[%dma_wait3A_88] : memref<10112xf32, #tpu.memory_space<vmem>> -> memref<4992xf32, #tpu.memory_space<vmem>>
      %dma_wait3A_90 = tpu.memref_slice %arg4[%add3A_70] : memref<330000xf32, #tpu.memory_space<hbm>> -> memref<4992xf32, #tpu.memory_space<hbm>>
      %dma_wait3A_91 = tpu.memref_slice %arg4[%add3A_70] : memref<330000xf32, #tpu.memory_space<hbm>> -> memref<4992xf32, #tpu.memory_space<hbm>>
      %dma_wait3A_92 = arith.constant 4992 : i32
      %dma_wait3A_93 = tpu.memref_slice %arg7[%dma_wait3A_92] : memref<10112xf32, #tpu.memory_space<vmem>> -> memref<4992xf32, #tpu.memory_space<vmem>>
      tpu.wait_dma2 semaphore(%arg12 : memref<!tpu.dma_semaphore, #tpu.memory_space<semaphore_mem>>) src(%dma_wait3A_93 : memref<4992xf32, #tpu.memory_space<vmem>>) dst(%dma_wait3A_91 : memref<4992xf32, #tpu.memory_space<hbm>>)
    } else {
    }
    return
  }
}

module attributes {stable_mosaic.version = 14 : i64} {
  func.func @_mlp_body(%arg0: memref<10000x128xf32, #tpu.memory_space<vmem>>, %arg1: memref<128x256xf32, #tpu.memory_space<vmem>>, %arg2: memref<256x128xf32, #tpu.memory_space<vmem>>, %arg3: memref<1x128xf32, #tpu.memory_space<vmem>>, %arg4: memref<1x1xf32, #tpu.memory_space<vmem>>, %arg5: memref<10000xf32, #tpu.memory_space<vmem>>, %arg6: memref<10000xf32, #tpu.memory_space<vmem>>) attributes {dimension_semantics = [], scalar_prefetch = 0 : i64, scratch_operands = 0 : i64, tpu.core_type = #tpu.core_type<tc>} {
    %get3A = arith.constant 0 : index
    %get3A_0 = arith.constant 0 : index
    %get3A_1 = vector.load %arg1[%get3A, %get3A_0] : memref<128x256xf32, #tpu.memory_space<vmem>>, vector<128x256xf32>
    %get3A_2 = arith.constant 0 : index
    %get3A_3 = arith.constant 0 : index
    %get3A_4 = vector.load %arg0[%get3A_2, %get3A_3] : memref<10000x128xf32, #tpu.memory_space<vmem>>, vector<10000x128xf32>
    %dot_general3A = arith.constant dense<0.000000e+00> : vector<256x10000xf32>
    %dot_general3A_5 = tpu.matmul %get3A_1, %get3A_4, %dot_general3A {dimension_numbers = #tpu.dot_dimension_numbers<[0], [1], [1], [0], [0, 1, 1, 0], [], []>, transpose_lhs_hint = false} : vector<128x256xf32>, vector<10000x128xf32>, vector<256x10000xf32> -> vector<256x10000xf32>
    %reduce_sum3A = arith.constant dense<0.000000e+00> : vector<256xf32>
    %reduce_sum3A_6 = vector.multi_reduction <add>, %dot_general3A_5, %reduce_sum3A [1] : vector<256x10000xf32> to vector<256xf32>
    %broadcast_in_dim3A = vector.shape_cast %reduce_sum3A_6 : vector<256xf32> to vector<256x1xf32>
    %mul3A = arith.constant 9.99999974E-5 : f32
    %mul3A_7 = vector.broadcast %mul3A : f32 to vector<256x1xf32>
    %mul3A_8 = arith.mulf %broadcast_in_dim3A, %mul3A_7 : vector<256x1xf32>
    %mul3A_9 = arith.mulf %dot_general3A_5, %dot_general3A_5 : vector<256x10000xf32>
    %reduce_sum3A_10 = arith.constant dense<0.000000e+00> : vector<256xf32>
    %reduce_sum3A_11 = vector.multi_reduction <add>, %mul3A_9, %reduce_sum3A_10 [1] : vector<256x10000xf32> to vector<256xf32>
    %broadcast_in_dim3A_12 = vector.shape_cast %reduce_sum3A_11 : vector<256xf32> to vector<256x1xf32>
    %mul3A_13 = arith.constant 9.99999974E-5 : f32
    %mul3A_14 = vector.broadcast %mul3A_13 : f32 to vector<256x1xf32>
    %mul3A_15 = arith.mulf %broadcast_in_dim3A_12, %mul3A_14 : vector<256x1xf32>
    %mul3A_16 = arith.mulf %mul3A_8, %mul3A_8 : vector<256x1xf32>
    %sub3A = arith.subf %mul3A_15, %mul3A_16 : vector<256x1xf32>
    %add3A = arith.constant 9.99999974E-6 : f32
    %add3A_17 = vector.broadcast %add3A : f32 to vector<256x1xf32>
    %add3A_18 = arith.addf %sub3A, %add3A_17 : vector<256x1xf32>
    %rsqrt3A = math.rsqrt %add3A_18 : vector<256x1xf32>
    %mul3A_19 = vector.broadcast %rsqrt3A : vector<256x1xf32> to vector<256x10000xf32>
    %mul3A_20 = arith.mulf %dot_general3A_5, %mul3A_19 : vector<256x10000xf32>
    %mul3A_21 = arith.mulf %mul3A_8, %rsqrt3A : vector<256x1xf32>
    %sub3A_22 = vector.broadcast %mul3A_21 : vector<256x1xf32> to vector<256x10000xf32>
    %sub3A_23 = arith.subf %mul3A_20, %sub3A_22 : vector<256x10000xf32>
    %max3A = arith.constant 0.000000e+00 : f32
    %max3A_24 = vector.broadcast %max3A : f32 to vector<256x10000xf32>
    %max3A_25 = arith.maximumf %sub3A_23, %max3A_24 : vector<256x10000xf32>
    %get3A_26 = arith.constant 0 : index
    %get3A_27 = arith.constant 0 : index
    %get3A_28 = vector.load %arg2[%get3A_26, %get3A_27] : memref<256x128xf32, #tpu.memory_space<vmem>>, vector<256x128xf32>
    %dot_general3A_29 = arith.constant dense<0.000000e+00> : vector<128x10000xf32>
    %dot_general3A_30 = tpu.matmul %get3A_28, %max3A_25, %dot_general3A_29 {dimension_numbers = #tpu.dot_dimension_numbers<[0], [0], [1], [1], [0, 1, 1, 1], [], []>, transpose_lhs_hint = false} : vector<256x128xf32>, vector<256x10000xf32>, vector<128x10000xf32> -> vector<128x10000xf32>
    %reduce_sum3A_31 = arith.constant dense<0.000000e+00> : vector<128xf32>
    %reduce_sum3A_32 = vector.multi_reduction <add>, %dot_general3A_30, %reduce_sum3A_31 [1] : vector<128x10000xf32> to vector<128xf32>
    %broadcast_in_dim3A_33 = vector.shape_cast %reduce_sum3A_32 : vector<128xf32> to vector<128x1xf32>
    %mul3A_34 = arith.constant 9.99999974E-5 : f32
    %mul3A_35 = vector.broadcast %mul3A_34 : f32 to vector<128x1xf32>
    %mul3A_36 = arith.mulf %broadcast_in_dim3A_33, %mul3A_35 : vector<128x1xf32>
    %mul3A_37 = arith.mulf %dot_general3A_30, %dot_general3A_30 : vector<128x10000xf32>
    %reduce_sum3A_38 = arith.constant dense<0.000000e+00> : vector<128xf32>
    %reduce_sum3A_39 = vector.multi_reduction <add>, %mul3A_37, %reduce_sum3A_38 [1] : vector<128x10000xf32> to vector<128xf32>
    %broadcast_in_dim3A_40 = vector.shape_cast %reduce_sum3A_39 : vector<128xf32> to vector<128x1xf32>
    %mul3A_41 = arith.constant 9.99999974E-5 : f32
    %mul3A_42 = vector.broadcast %mul3A_41 : f32 to vector<128x1xf32>
    %mul3A_43 = arith.mulf %broadcast_in_dim3A_40, %mul3A_42 : vector<128x1xf32>
    %mul3A_44 = arith.mulf %mul3A_36, %mul3A_36 : vector<128x1xf32>
    %sub3A_45 = arith.subf %mul3A_43, %mul3A_44 : vector<128x1xf32>
    %add3A_46 = arith.constant 9.99999974E-6 : f32
    %add3A_47 = vector.broadcast %add3A_46 : f32 to vector<128x1xf32>
    %add3A_48 = arith.addf %sub3A_45, %add3A_47 : vector<128x1xf32>
    %rsqrt3A_49 = math.rsqrt %add3A_48 : vector<128x1xf32>
    %mul3A_50 = vector.broadcast %rsqrt3A_49 : vector<128x1xf32> to vector<128x10000xf32>
    %mul3A_51 = arith.mulf %dot_general3A_30, %mul3A_50 : vector<128x10000xf32>
    %mul3A_52 = arith.mulf %mul3A_36, %rsqrt3A_49 : vector<128x1xf32>
    %sub3A_53 = vector.broadcast %mul3A_52 : vector<128x1xf32> to vector<128x10000xf32>
    %sub3A_54 = arith.subf %mul3A_51, %sub3A_53 : vector<128x10000xf32>
    %max3A_55 = arith.constant 0.000000e+00 : f32
    %max3A_56 = vector.broadcast %max3A_55 : f32 to vector<128x10000xf32>
    %max3A_57 = arith.maximumf %sub3A_54, %max3A_56 : vector<128x10000xf32>
    %get3A_58 = arith.constant 0 : index
    %get3A_59 = arith.constant 0 : index
    %get3A_60 = vector.load %arg3[%get3A_58, %get3A_59] : memref<1x128xf32, #tpu.memory_space<vmem>>, vector<1x128xf32>
    %dot_general3A_61 = arith.constant dense<0.000000e+00> : vector<1x10000xf32>
    %dot_general3A_62 = tpu.matmul %get3A_60, %max3A_57, %dot_general3A_61 {dimension_numbers = #tpu.dot_dimension_numbers<[1], [0], [0], [1], [0, 0, 1, 1], [], []>, transpose_lhs_hint = false} : vector<1x128xf32>, vector<128x10000xf32>, vector<1x10000xf32> -> vector<1x10000xf32>
    %get3A_63 = arith.constant 0 : index
    %get3A_64 = arith.constant 0 : index
    %get3A_65 = vector.load %arg4[%get3A_63, %get3A_64] : memref<1x1xf32, #tpu.memory_space<vmem>>, vector<1x1xf32>
    %add3A_66 = vector.broadcast %get3A_65 : vector<1x1xf32> to vector<1x10000xf32>
    %add3A_67 = arith.addf %dot_general3A_62, %add3A_66 : vector<1x10000xf32>
    %get3A_68 = arith.constant 0 : index
    %get3A_69 = vector.load %arg5[%get3A_68] : memref<10000xf32, #tpu.memory_space<vmem>>, vector<10000xf32>
    %reshape3A = vector.shape_cast %get3A_69 : vector<10000xf32> to vector<1x10000xf32>
    %add3A_70 = arith.addf %add3A_67, %reshape3A : vector<1x10000xf32>
    %logistic3A = arith.negf %add3A_70 : vector<1x10000xf32>
    %logistic3A_71 = math.exp %logistic3A : vector<1x10000xf32>
    %logistic3A_72 = arith.constant 1.000000e+00 : f32
    %logistic3A_73 = vector.broadcast %logistic3A_72 : f32 to vector<1x10000xf32>
    %logistic3A_74 = arith.addf %logistic3A_73, %logistic3A_71 : vector<1x10000xf32>
    %logistic3A_75 = arith.divf %logistic3A_73, %logistic3A_74 : vector<1x10000xf32>
    %reshape3A_76 = vector.shape_cast %logistic3A_75 : vector<1x10000xf32> to vector<10000xf32>
    %swap3A = arith.constant 0 : index
    %swap3A_77 = vector.load %arg6[%swap3A] : memref<10000xf32, #tpu.memory_space<vmem>>, vector<10000xf32>
    tpu.vector_store %arg6[%swap3A], %reshape3A_76 {strides = array<i32>} : memref<10000xf32, #tpu.memory_space<vmem>>, vector<10000xf32>,
    return
  }
}

</mosaic_0001>

<sc_bundles>
// kernel: kernel.4.cloned.1.call-start
scs
__scs_entry_jumppad:
0x0: {  	(pc) =	sbr.rel $0x88, $3  }
0x1: {  	(tag) =	ssettag $0x0;
	lr =	simm.s32 $0x1  }
0x2: {  	[smem:$0x3F9A] =	sst lr;
	_ =	strace $0xD0000000  }
0x3: {  	_ = 	snop  }
0x4: {  	_ = 	snop  }
0x5: {  	_ = 	snop  }
0x6: {  	_ = 	snop  }
0x7: {  	_ = 	snop  }
__scs_overlays_trampoline_lowered:
0x8: {  	[smem:$0x3FA9] =	sst s0  }
0x9: {  	[smem:$0x3FAA] =	sst s1  }
0xa: {  	[smem:$0x3FAB] =	sst s2  }
0xb: {  	[smem:$0x3FAC] =	sst s3  }
0xc: {  	[smem:$0x3FAD] =	sst s4  }
0xd: {  	[smem:$0x3FAE] =	sst s5  }
0xe: {  	[smem:$0x3FAF] =	sst s6  }
0xf: {  	[smem:$0x3FB0] =	sst s7  }
0x10: {  	[smem:$0x3FB1] =	sst s8  }
0x11: {  	[smem:$0x3FB2] =	sst s9;
	s0 =	simm.s32 @!p0 $0x0  }
0x12: {  	s1 =	sld [smem:$0x3F98];
	s0 =	simm.s32 @p0 $0x1  }
0x13: {  	[smem:$0x3FB3] =	sst s0;
	s0 =	simm.s32 @!p1 $0x0  }
0x14: {  	s2 =	sld [smem:$0x3F97];
	s0 =	simm.s32 @p1 $0x1  }
0x15: {  	[smem:$0x3FB4] =	sst s0;
	s0 =	simm.s32 @!p2 $0x0  }
0x16: {  	s3 =	sld [smem:$0x3FDB];
	s0 =	simm.s32 @p2 $0x1  }
0x17: {  	s4 =	simm.s32 $0x1BF5;
	[smem:$0x3FB6] =	sst s0  }
0x18: {  	s0 =	sld [smem:$0x3F99];
	_ =	swait.ge [sflag:s4], $0x0  }
0x19: {  	s7 =	sld [smem:$0x3F9A]  }
0x1a: {  	s8 =	sadd.s32 $0xFFFFE003, lr  }
0x1b: {  	s9 =	sadd.s32 $0xFFFFFEF7, lr;
	s5 =	simm.s32 $0xFFFFFFFF;
	p2 =	slt.u32 s8, $0xFFFFF086  }
0x1c: {  	p1 =	slt.u32 s9, $0xF7A;
	s5 =	simm.s32 @!p2 $0x0  }
0x1d: {  	s5 =	simm.s32 @p1 $0x1;
	p0 =	seq.s32 s7, s2  }
0x1e: {  	s7 =	smul.u32 @!p0 $0xF7A, s2;
	p2 =	seq.s32 @!p0 s5, $0x0  }
0x1f: {  	s9 =	smul.u32 $0xF7A, s1;
	s8 =	simm.s32 @!p0 $0x1BF5;
	p2 =	por !p2, p0  }
0x20: {  	[sflag:s8] =	ssyncset.s32 @!p0 $0xFFFFF086;
	s6 =	sadd.s32 @!p0 s3, s7;
	s7 =	simm.s32 @!p0 $0x108  }
0x21: {  	s3 =	sadd.s32 s3, s9;
	s6 =	sadd.s32 @!p0 $0x88, s6;
	s7 =	simm.s32 @p2 $0x1082  }
0x22: {  	[simem:s7], [sflag:s8] =	dma.local @!p0 [hbm:s6], $0xF7A  }
0x23: {  	s9 =	sor.u32 $0xD0000000, s2;
	s6 =	simm.s32 $0x108;
	_ =	swait.ge @!p0 [sflag:s8], $0x0  }
0x24: {  	s3 =	sadd.s32 $0x88, s3;
	s6 =	simm.s32 @!p1 $0x1082;
	[sflag:s4] =	ssyncset.s32 $0xFFFFF086  }
0x25: {  	[simem:s6], [sflag:s4] =	dma.local [hbm:s3], $0xF7A  }
0x26: {  	[smem:$0x3F9A] =	sst s1;
	(tag) =	ssettag s2;
	_ =	strace s9  }
0x27: {  	s1 =	sld [smem:$0x3FAA]  }
0x28: {  	s2 =	sld [smem:$0x3FAB]  }
0x29: {  	s4 =	sld [smem:$0x3FAD]  }
0x2a: {  	p0 =	seq.s32 s5, $0x0;
	s5 =	sld [smem:$0x3FAE]  }
0x2b: {  	s6 =	sld [smem:$0x3FAF]  }
0x2c: {  	s7 =	sld [smem:$0x3FB0]  }
0x2d: {  	s3 =	simm.s32 $0x108;
	s8 =	sld [smem:$0x3FB1]  }
0x2e: {  	s3 =	simm.s32 @!p0 $0x1082;
	s9 =	sld [smem:$0x3FB2]  }
0x2f: {  	lr =	sadd.s32 s0, s3;
	s0 =	sld [smem:$0x3FA9]  }
0x30: {  	s3 =	sld [smem:$0x3FAC]  }
0x31: {  	[smem:$0x3FB5] =	sst s10  }
0x32: {  	s10 =	sld [smem:$0x3FB3];
	_ =	sdelay $0x3  }
0x33: {  	p0 =	seq.s32 s10, $0x1;
	s10 =	sld [smem:$0x3FB5];
	_ =	sdelay $0x3  }
0x34: {  	[smem:$0x3FB5] =	sst s10  }
0x35: {  	s10 =	sld [smem:$0x3FB4];
	_ =	sdelay $0x3  }
0x36: {  	p1 =	seq.s32 s10, $0x1;
	s10 =	sld [smem:$0x3FB5];
	_ =	sdelay $0x3  }
0x37: {  	[smem:$0x3FB5] =	sst s10  }
0x38: {  	s10 =	sld [smem:$0x3FB6]  }
0x39: {  	_ = 	snop;
	(pc) =	sbr.ind lr, $3  }
0x3a: {  	_ = 	snop  }
0x3b: {  	_ = 	snop  }
0x3c: {  	p2 =	seq.s32 s10, $0x1;
	s10 =	sld [smem:$0x3FB5]  }
0x3d: {  	_ =	shalt  }
0x3e: {  	_ =	shalt  }
0x3f: {  	_ =	shalt  }
0x40: {  	_ =	shalt  }
0x41: {  	_ =	shalt  }
0x42: {  	_ =	shalt  }
0x43: {  	_ =	shalt  }
0x44: {  	_ =	shalt  }
0x45: {  	_ =	shalt  }
0x46: {  	_ =	shalt  }
0x47: {  	_ =	shalt  }
0x48: {  	_ =	shalt  }
0x49: {  	_ =	shalt  }
0x4a: {  	_ =	shalt  }
0x4b: {  	_ =	shalt  }
0x4c: {  	_ =	shalt  }
0x4d: {  	_ =	shalt  }
0x4e: {  	_ =	shalt  }
0x4f: {  	_ =	shalt  }
0x50: {  	_ =	shalt  }
0x51: {  	_ =	shalt  }
0x52: {  	_ =	shalt  }
0x53: {  	_ =	shalt  }
0x54: {  	_ =	shalt  }
0x55: {  	_ =	shalt  }
0x56: {  	_ =	shalt  }
0x57: {  	_ =	shalt  }
0x58: {  	_ =	shalt  }
0x59: {  	_ =	shalt  }
0x5a: {  	_ =	shalt  }
0x5b: {  	_ =	shalt  }
0x5c: {  	_ =	shalt  }
0x5d: {  	_ =	shalt  }
0x5e: {  	_ =	shalt  }
0x5f: {  	_ =	shalt  }
0x60: {  	_ =	shalt  }
0x61: {  	_ =	shalt  }
0x62: {  	_ =	shalt  }
0x63: {  	_ =	shalt  }
0x64: {  	_ =	shalt  }
0x65: {  	_ =	shalt  }
0x66: {  	_ =	shalt  }
0x67: {  	_ =	shalt  }
0x68: {  	_ =	shalt  }
0x69: {  	_ =	shalt  }
0x6a: {  	_ =	shalt  }
0x6b: {  	_ =	shalt  }
0x6c: {  	_ =	shalt  }
0x6d: {  	_ =	shalt  }
0x6e: {  	_ =	shalt  }
0x6f: {  	_ =	shalt  }
0x70: {  	_ =	shalt  }
0x71: {  	_ =	shalt  }
0x72: {  	_ =	shalt  }
0x73: {  	_ =	shalt  }
0x74: {  	_ =	shalt  }
0x75: {  	_ =	shalt  }
0x76: {  	_ =	shalt  }
0x77: {  	_ =	shalt  }
0x78: {  	_ =	shalt  }
0x79: {  	_ =	shalt  }
0x7a: {  	_ =	shalt  }
0x7b: {  	_ =	shalt  }
0x7c: {  	_ =	shalt  }
0x7d: {  	_ =	shalt  }
0x7e: {  	_ =	shalt  }
0x7f: {  	_ =	shalt  }
0x80: {  	_ =	shalt  }
0x81: {  	_ =	shalt  }
0x82: {  	_ =	shalt  }
0x83: {  	_ =	shalt  }
0x84: {  	_ =	shalt  }
0x85: {  	_ =	shalt  }
0x86: {  	_ =	shalt  }
0x87: {  	_ =	shalt  }
.Lfunc_end0:
.L_simem_size_0:
called_computation_lowered:
.L_overlay_start_0:
0x88: {  	s2 =	sld [smem:$0x3FD9]  }
0x89: {  	s3 =	sld [smem:$0x3FFE];
	_ =	sdelay $0x1  }
0x8a: {  	s1 =	srdreg.scid  }
0x8b: {  	s0 =	sand.u32 $0x1, s1  }
0x8c: {  	s17 =	sshll.u32 s0, $0xA;
	s2 =	sadd.s32 s3, s2  }
0x8d: {  	s2 =	sadd.s32 s2, s17  }
0x8e: {  	[smem:$0x3FC1] =	sst s2  }
0x8f: {  	_ = 	snop  }
0x90: {  	s2 =	sld [smem:$0x3FC8]  }
0x91: {  	s18 =	sld [smem:$0x3FD0];
	(tm) =	ssettm $0x1  }
0x92: {  	s4 =	sld [smem:$0x3FFB];
	_ =	sdelay $0x3  }
0x93: {  	_ =	strace s4  }
0x94: {  	s4 =	sld [smem:$0x3FFC];
	_ =	sdelay $0x3  }
0x95: {  	_ =	strace s4  }
0x96: {  	s4 =	sld [smem:$0x3FFD];
	_ =	sdelay $0x3  }
0x97: {  	_ =	strace s4  }
0x98: {  	_ =	strace $0x8FFFFFFF  }
0x99: {  	s19 =	sld [smem:$0x3FDB];
	_ =	sdelay $0x1  }
0x9a: {  	s5 =	simm.s32 $_scs_section_size  }
0x9b: {  	s6 =	simm.s32 $_size__tile_overlayer_lowered;
	s7 =	simm.s32 $_tile_overlayer_lowered  }
0x9c: {  	s22 =	simm.s32 $0x1BFF;
	s21 =	sshll.u32 s7, $0x1;
	s4 =	sadd.s32 s5, s19  }
0x9d: {  	s8 =	simm.s32 $0x0;
	s20 =	sshll.u32 s6, $0x1;
	s6 =	sadd.s32 s21, s4  }
0x9e: {  	[timem:s8], [sflag:s22] =	dma.local [hbm:s6], s20  }
0x9f: {  	_ =	swait.ge [sflag:s22], s20  }
0xa0: {  	s5 =	ssub.s32 $0x0, s20;
	[sflag:s22] =	ssyncset.done $0x0  }
0xa1: {  	[sflag:s22] =	ssyncadd.s32 s5;
	_ =	sdelay $0x1  }
0xa2: {  	s23 =	simm.s32 $0x1B8B  }
0xa3: {  	_ =	swait.ge [sflag:s23], $0x1  }
0xa4: {  	[sflag:s23] =	ssyncset.done $0x0  }
0xa5: {  	s25 =	simm.s32 $0x1B8E;
	s24 =	sld [smem:$0x3FFE];
	[sflag:s23] =	ssyncadd.s32 $0xFFFFFFFF  }
0xa6: {  	s26 =	simm.s32 $execute0_lowered;
	[smem:$0x3FD2] =	sst s25  }
0xa7: {  	s6 =	sshll.u32 s26, $0x1;
	_ =	strace $0x80000046;
	[dreg:$0x1] =	wrdreg $0xFFFFFFFF  }
0xa8: {  	s28 =	simm.s32 $_size_execute0_lowered;
	s4 =	sadd.s32 s4, s6;
	[dreg:$0x0] =	wrdreg $0x0  }
0xa9: {  	s6 =	sshll.u32 s28, $0x1;
	[dreg:$0x2] =	wrdreg s4  }
0xaa: {  	[dreg:$0x3] =	wrdreg s6  }
0xab: {  	[dreg:$0x4] =	wrdreg $0xC0  }
0xac: {  	_ =	task [dreg:s8], $0x5FFFF  }
0xad: {  	[dreg:$0x1] =	wrdreg $0xFFFFFFFF  }
0xae: {  	[dreg:$0x0] =	wrdreg $0x60  }
0xaf: {  	[dreg:$0x2] =	wrdreg s18  }
0xb0: {  	[dreg:$0x3] =	wrdreg s2  }
0xb1: {  	[dreg:$0x4] =	wrdreg s24  }
0xb2: {  	[dreg:$0x5] =	wrdreg $0x9  }
0xb3: {  	_ =	task.clear_ibuf [dreg:s8], $0x6FFFF;
	_ =	strace $0x90000046  }
0xb4: {  	s29 =	simm.s32 $0x9;
	_ =	strace $0x80000048  }
0xb5: {  	_ =	swait.ge [sflag:s29], $0x1  }
0xb6: {  	[sflag:s29] =	ssyncadd.s32 $0xFFFFFFFF  }
0xb7: {  	_ =	strace $0x90000048  }
0xb8: {  	_ =	sfence  }
0xb9: {  	s30 =	sld [smem:$0x0];
	_ =	sdelay $0x2  }
0xba: {  	s31 =	sshll.u32 s1, $0xD;
	s1 =	sshrl.u32 s1, $0x2  }
0xbb: {  	s3 =	sand.u32 $0x4000, s31;
	s1 =	sadd.s32 s1, s30  }
0xbc: {  	s0 =	sor.u32 s3, s0;
	s1 =	sshll.u32 s1, $0x11  }
0xbd: {  	s0 =	sor.u32 s1, s0  }
0xbe: {  	s0 =	sadd.s32 $0x8F2B, s0  }
0xbf: {  	[sflag:s0] =	ssyncadd.remote.s32 $0x1  }
0xc0: {  	_ =	sfence.sel $0xFFFF  }
0xc1: {  	[dreg:$0x0] =	wrdreg $0xFFFFFFFF;
	(pc) =	sbr.abs _section_cstart, $3  }
0xc2: {  	[dreg:$0x1] =	wrdreg $0xFFFFFFFF  }
0xc3: {  	_ =	task.clear_ibuf [dreg:s8], $0x2FFFF;
	_ =	strace $0x9FFFFFFF  }
0xc4: {  	(tm) =	ssettm $0x7FFFFFFF  }
0xc5: {  	_ =	shalt  }
tec
execute0_lowered:
.L_overlay_start_1:
0x0: {  	(tag) =	ssettag $0x1  }
0x1: {  	s1 =	rddreg [dreg:$0x0]  }
0x2: {  	s2 =	srdreg.scid;
	s9 =	rddreg [dreg:$0x1]  }
0x3: {  	s0 =	stileid.u32;
	s4 =	rddreg [dreg:$0x2]  }
0x4: {  	s3 =	simm.s32 $0x0;
	s16 =	simm.s32 $0x3;
	s17 =	simm.s32 $0x8A00  }
0x5: {  	s18 =	simm.s32 $0x9E00;
	s19 =	simm.s32 $0x5;
	s20 =	simm.s32 $0x4  }
0x6: {  	s6 =	sand.u32 $0x1, s2;
	s26 =	sshll.u32 s0, $0x1;
	s14 =	smul.u32 $0xC80, s0  }
0x7: {  	s2 =	rddreg [dreg:$0x3];
	s21 =	sor.u32 s6, s26;
	s15 =	smul.u32 $0x640, s6  }
0x8: {  	[smem:$0x7FF] =	sst s3;
	p0 =	slt.u32 s0, $0x2;
	s5 =	smul.u32 $0x4E, s21  }
0x9: {  	s11 =	sadd.s32 $0xA00, s4;
	s10 =	ssub.s32 $0x2, s6;
	s7 =	smul.u32 $0x4F, s21  }
0xa: {  	_ =	strace $0x80000047;
	s28 =	sshrl.u32 s10, $0x1;
	s12 =	smul.u32 $0x190, s21  }
0xb: {  	s13 =	smul.u32 $0x9E0, s21;
	p1 =	sgt.u32 s21, $0x18;
	s21 =	simm.s32 $0x0  }
0xc: {  	s10 =	ssub.s32 s10, s28;
	s31 =	sadd.s32 s15, s14;
	s14 =	simm.s32 $0x2  }
0xd: {  	s15 =	simm.s32 $0x7680;
	s8 =	sadd.s32 $0x4, s5;
	s12 =	sshrl.u32 s12, $0x3  }
0xe: {  	s10 =	smax.u32 s10, $0x1;
	s22 =	sshrl.u32 s31, $0x2;
	s5 =	sshll.u32 s8, $0x5  }
0xf: {  	s8 =	smov.u32 @p0 s7;
	s30 =	sadd.s32 s11, s12;
	p0 =	sgt.u32 s0, $0x1  }
.Ltmp0:
0x10: {  	s12 =	simm.s32 $0x4E80;
	v0 =	vmov s22;
	s7 =	sshll.u32 s8, $0x7;
	(pc) =	sbr.rel .LBB2_1-.Ltmp0, $4  }
0x11: {  	s4 =	sadd.s32 s9, s5;
	s8 =	sshll.u32 s8, $0x4;
	s7 =	sadd.s32 $0x1380, s7  }
0x12: {  	s6 =	sadd.s32 s11, s8;
	s29 =	sshrl.u32 s7, $0x2;
	s7 =	sshrl.u32 s7, $0x3  }
0x13: {  	s8 =	sadd.s32 $0x9C40, s30;
	s5 =	sadd.s32 s9, s29;
	s7 =	sadd.s32 s11, s7  }
0x14: {  	s9 =	sadd.s32 s9, s13;
	s11 =	simm.s32 $0x2780;
	s13 =	simm.s32 $0x1  }
.LBB2_22:
0x15: {  	_ =	sdelay $0x3  }
0x16: {  	v1 =	vld.idx.msk [tilespmem:v0+s22+$0x0 ss:$0x1], $0xffff;
	_ =	sdelay $0x4  }
0x17: {  	v1 =	vmul.f32 v1, v1;
	_ =	sdelay $0x1  }
0x18: {  	[tilespmem:s22+$0x9E00] =	vst v1  }
0x19: {  	[hbm4b:s8+s3] =	stream.linear.scatter [tilespmem:s18], [sflag:$0x5], $0x190, $0x38;
	[tilespmem:$0xA000] =	vst v63  }
0x1a: {  	_ =	swait.ge [sflag:s19], $0x190  }
0x1b: {  	[sflag:s19] =	ssyncset.done $0x0  }
0x1c: {  	[sflag:s19] =	ssyncadd.s32 $0xFFFFFE70  }
.LBB2_23:
0x1d: {  	_ =	swait.ge [sflag:s20], $0x1380  }
0x1e: {  	[sflag:s20] =	ssyncset.done $0x0  }
0x1f: {  	[sflag:s20] =	ssyncadd.s32 $0xFFFFEC80  }
0x20: {  	_ =	swait.ge [sflag:s20], $0x1380  }
0x21: {  	[sflag:s20] =	ssyncset.done $0x0  }
0x22: {  	[sflag:s20] =	ssyncadd.s32 $0xFFFFEC80  }
.LBB2_24:
0x23: {  	s21 =	sadd.s32 $0x1, s21  }
0x24: {  	p2 =	sne.s32 s21, s10  }
.Ltmp1:
0x25: {  	_ = 	snop;
	(pc) =	sbr.rel @!p2 .LBB2_25-.Ltmp1, $1  }
0x26: {  	_ =	sdelay $0x3  }
.LBB2_1:
.Ltmp2:
0x27: {  	(pc) =	sbr.rel @p0 .LBB2_11-.Ltmp2, $2  }
0x28: {  	_ =	sdelay $0x2  }
0x29: {  	[tilespmem:s3], [sflag:$0x1] =	stream.linear.gather [hbm4b:s1+s3], $0x2780, $0x38;
	[tilespmem:$0xA000] =	vst v63  }
0x2a: {  	[tilespmem:s11], [sflag:$0x2] =	stream.linear.gather [hbm4b:s9+s3], $0x2700, $0x38;
	[tilespmem:$0xA000] =	vst v63  }
0x2b: {  	_ = 	snop  }
0x2c: {  	[tilespmem:s12], [sflag:$0x3] =	stream.linear.gather [hbm4b:s5+s3], $0x2800, $0x38;
	[tilespmem:$0xA000] =	vst v63  }
0x2d: {  	_ =	swait.ge [sflag:s13], $0x2780  }
0x2e: {  	[sflag:s13] =	ssyncset.done $0x0  }
0x2f: {  	[sflag:s13] =	ssyncadd.s32 $0xFFFFD880  }
0x30: {  	_ =	swait.ge [sflag:s14], $0x2700  }
0x31: {  	[sflag:s14] =	ssyncset.done $0x0  }
0x32: {  	s22 =	simm.s32 $0x2880;
	[sflag:s14] =	ssyncadd.s32 $0xFFFFD900  }
0x33: {  	v1 =	vld [tilespmem:s22+$0x70]  }
0x34: {  	v2 =	vld [tilespmem:s22+$0xF0]  }
0x35: {  	v3 =	vld [tilespmem:s22+$0xFFFFFF80]  }
0x36: {  	v4 =	vld [tilespmem:s22+$0xFFFFFF10]  }
0x37: {  	v5 =	vld [tilespmem:s22+$0xFFFFFF90]  }
0x38: {  	v6 =	vld [tilespmem:s22+$0xFFFFFF20]  }
0x39: {  	v7 =	vld [tilespmem:s22+$0xFFFFFFA0]  }
0x3a: {  	v8 =	vld [tilespmem:s22+$0xFFFFFF30]  }
0x3b: {  	v9 =	vld [tilespmem:s22+$0xFFFFFFB0]  }
0x3c: {  	v10 =	vld [tilespmem:s22+$0xFFFFFF40]  }
0x3d: {  	v11 =	vld [tilespmem:s22+$0xFFFFFFC0]  }
0x3e: {  	v12 =	vld [tilespmem:s22+$0xFFFFFF50]  }
0x3f: {  	v13 =	vld [tilespmem:s22+$0xFFFFFFD0]  }
0x40: {  	v14 =	vld [tilespmem:s22+$0xFFFFFF60]  }
0x41: {  	v15 =	vld [tilespmem:s22+$0xFFFFFFE0]  }
0x42: {  	v16 =	vld [tilespmem:s22+$0xFFFFFF70]  }
0x43: {  	v17 =	vld [tilespmem:s22+$0xFFFFFFF0]  }
0x44: {  	v18 =	vld [tilespmem:s22+$0x0]  }
0x45: {  	v19 =	vld [tilespmem:s22+$0x80]  }
0x46: {  	v20 =	vld [tilespmem:s22+$0x10]  }
0x47: {  	v21 =	vld [tilespmem:s22+$0x90]  }
0x48: {  	v22 =	vld [tilespmem:s22+$0x20]  }
0x49: {  	v23 =	vld [tilespmem:s22+$0xA0]  }
0x4a: {  	v24 =	vld [tilespmem:s22+$0x30]  }
0x4b: {  	v25 =	vld [tilespmem:s22+$0xB0]  }
0x4c: {  	v26 =	vld [tilespmem:s22+$0x40]  }
0x4d: {  	v27 =	vld [tilespmem:s22+$0xC0]  }
0x4e: {  	v28 =	vld [tilespmem:s22+$0x50]  }
0x4f: {  	v29 =	vld [tilespmem:s22+$0xD0]  }
0x50: {  	v30 =	vld [tilespmem:s22+$0x60]  }
0x51: {  	v31 =	vld [tilespmem:s22+$0xE0]  }
0x52: {  	v32 =	vld [tilespmem:s22+$0xFFFFFF00]  }
0x53: {  	v1 =	vld.idx.msk [tilespmem:v1+s3+$0x0], $0xffff  }
0x54: {  	v2 =	vld.idx.msk [tilespmem:v2+s3+$0x0], $0xffff  }
0x55: {  	v3 =	vld.idx.msk [tilespmem:v3+s3+$0x0], $0xffff  }
0x56: {  	v4 =	vld.idx.msk [tilespmem:v4+s3+$0x0], $0xffff  }
0x57: {  	v5 =	vld.idx.msk [tilespmem:v5+s3+$0x0], $0xffff  }
0x58: {  	v6 =	vld.idx.msk [tilespmem:v6+s3+$0x0], $0xffff  }
0x59: {  	v7 =	vld.idx.msk [tilespmem:v7+s3+$0x0], $0xffff  }
0x5a: {  	v8 =	vld.idx.msk [tilespmem:v8+s3+$0x0], $0xffff  }
0x5b: {  	v9 =	vld.idx.msk [tilespmem:v9+s3+$0x0], $0xffff  }
0x5c: {  	v32 =	vld.idx.msk [tilespmem:v32+s3+$0x0], $0xffff  }
0x5d: {  	v10 =	vld.idx.msk [tilespmem:v10+s3+$0x0], $0xffff  }
0x5e: {  	v11 =	vld.idx.msk [tilespmem:v11+s3+$0x0], $0xffff  }
0x5f: {  	v12 =	vld.idx.msk [tilespmem:v12+s3+$0x0], $0xffff  }
0x60: {  	v13 =	vld.idx.msk [tilespmem:v13+s3+$0x0], $0xffff  }
0x61: {  	v16 =	vld.idx.msk [tilespmem:v16+s3+$0x0], $0xffff  }
0x62: {  	v17 =	vld.idx.msk [tilespmem:v17+s3+$0x0], $0xffff  }
0x63: {  	v14 =	vld.idx.msk [tilespmem:v14+s3+$0x0], $0xffff  }
0x64: {  	v15 =	vld.idx.msk [tilespmem:v15+s3+$0x0], $0xffff  }
0x65: {  	v61 =	vld.idx.msk [tilespmem:v24+s3+$0x0], $0xffff;
	v1 =	vmul.f32 v2, v1  }
0x66: {  	s22 =	simm.s32 $0x7700;
	v2 =	vld.idx.msk [tilespmem:v18+s3+$0x0], $0xffff;
	v4 =	vmul.f32 v5, v4  }
0x67: {  	v5 =	vld.idx.msk [tilespmem:v19+s3+$0x0], $0xffff;
	v63 =	vmul.f32 v17, v16;
	[tilespmem:s22+$0x70] =	vst v1  }
0x68: {  	v1 =	vmul.f32 v7, v6;
	v6 =	vld.idx.msk [tilespmem:v20+s3+$0x0], $0xffff;
	[tilespmem:s22+$0xFFFFFF90] =	vst v4  }
0x69: {  	v4 =	vmul.f32 v9, v8;
	v7 =	vld.idx.msk [tilespmem:v21+s3+$0x0], $0xffff;
	[tilespmem:s22+$0xFFFFFFF0] =	vst v63  }
0x6a: {  	v8 =	vld.idx.msk [tilespmem:v22+s3+$0x0], $0xffff;
	[tilespmem:s22+$0xFFFFFFA0] =	vst v1;
	v1 =	vmul.f32 v3, v32  }
0x6b: {  	[tilespmem:s22+$0xFFFFFFB0] =	vst v4;
	v3 =	vmul.f32 v11, v10;
	v4 =	vld.idx.msk [tilespmem:v23+s3+$0x0], $0xffff  }
0x6c: {  	v62 =	vld.idx.msk [tilespmem:v25+s3+$0x0], $0xffff;
	[tilespmem:s22+$0xFFFFFF80] =	vst v1;
	v1 =	vmul.f32 v13, v12  }
0x6d: {  	v5 =	vmul.f32 v5, v2;
	v2 =	vld.idx.msk [tilespmem:v28+s3+$0x0], $0xffff;
	[tilespmem:s22+$0xFFFFFFC0] =	vst v3;
	v3 =	vmul.f32 v15, v14  }
0x6e: {  	[tilespmem:s22+$0xFFFFFFD0] =	vst v1;
	v1 =	vld.idx.msk [tilespmem:v26+s3+$0x0], $0xffff  }
0x6f: {  	v6 =	vmul.f32 v7, v6;
	[tilespmem:s22+$0xFFFFFFE0] =	vst v3;
	v3 =	vld.idx.msk [tilespmem:v27+s3+$0x0], $0xffff  }
0x70: {  	[tilespmem:s22+$0x0] =	vst v5;
	v5 =	vld.idx.msk [tilespmem:v29+s3+$0x0], $0xffff;
	v7 =	vmul.f32 v4, v8  }
0x71: {  	s26 =	simm.s32 $0x0;
	s23 =	simm.s32 $0x2600;
	[tilespmem:s22+$0x10] =	vst v6;
	v4 =	vld.idx.msk [tilespmem:v30+s3+$0x0], $0xffff  }
0x72: {  	s24 =	simm.s32 $0x8980;
	s25 =	simm.s32 $0x2800;
	s28 =	simm.s32 $0x2A80;
	v6 =	vld.idx.msk [tilespmem:v31+s3+$0x0], $0xffff;
	[tilespmem:s22+$0x20] =	vst v7;
	v7 =	vmul.f32 v62, v61  }
.LBB2_3:
0x73: {  	v8 =	vld [tilespmem:s28+$0x70]  }
0x74: {  	s26 =	sadd.s32 $0x10, s26;
	v1 =	vmul.f32 v3, v1;
	v9 =	vld [tilespmem:s28+$0xF0];
	[tilespmem:s22+$0x30] =	vst v7  }
0x75: {  	p2 =	slt.u32 s26, $0x120;
	v3 =	vld [tilespmem:s28+$0xFFFFFF80]  }
0x76: {  	v7 =	vld [tilespmem:s28+$0xFFFFFF10];
	[tilespmem:s22+$0x40] =	vst v1;
	v1 =	vmul.f32 v5, v2  }
0x77: {  	v2 =	vld [tilespmem:s28+$0xFFFFFF90]  }
0x78: {  	v5 =	vld [tilespmem:s28+$0xFFFFFF20];
	[tilespmem:s22+$0x50] =	vst v1;
	v1 =	vmul.f32 v6, v4  }
0x79: {  	v4 =	vld [tilespmem:s28+$0xFFFFFFA0]  }
0x7a: {  	v6 =	vld [tilespmem:s28+$0xFFFFFF30];
	[tilespmem:s22+$0x60] =	vst v1  }
0x7b: {  	v1 =	vld.idx.msk [tilespmem:v8+s3+$0x0], $0xffff  }
0x7c: {  	v8 =	vld.idx.msk [tilespmem:v9+s3+$0x0], $0xffff  }
0x7d: {  	v9 =	vld [tilespmem:s28+$0xFFFFFFB0]  }
0x7e: {  	v10 =	vld [tilespmem:s28+$0xFFFFFF40]  }
0x7f: {  	v11 =	vld [tilespmem:s28+$0xFFFFFFC0]  }
0x80: {  	v12 =	vld [tilespmem:s28+$0xFFFFFF50]  }
0x81: {  	v13 =	vld [tilespmem:s28+$0xFFFFFFD0]  }
0x82: {  	v1 =	vmul.f32 v8, v1;
	v14 =	vld [tilespmem:s28+$0xFFFFFF60]  }
0x83: {  	s29 =	simm.s32 $0x2780;
	s22 =	sadd.s32 $0x100, s22;
	v8 =	vld [tilespmem:s28+$0xFFFFFFE0]  }
0x84: {  	v15 =	vld [tilespmem:s28+$0xFFFFFF70];
	[tilespmem:s22+$0x70] =	vst v1  }
0x85: {  	v1 =	vld [tilespmem:s28+$0xFFFFFFF0]  }
0x86: {  	v16 =	vld [tilespmem:s28+$0x0]  }
0x87: {  	v17 =	vld [tilespmem:s28+$0x80]  }
0x88: {  	v18 =	vld [tilespmem:s28+$0x10]  }
0x89: {  	v19 =	vld [tilespmem:s28+$0x90]  }
0x8a: {  	v20 =	vld [tilespmem:s28+$0x20]  }
0x8b: {  	v21 =	vld [tilespmem:s28+$0xA0]  }
0x8c: {  	v22 =	vld [tilespmem:s28+$0x30]  }
0x8d: {  	v23 =	vld [tilespmem:s28+$0xB0]  }
0x8e: {  	v24 =	vld [tilespmem:s28+$0x40]  }
0x8f: {  	v25 =	vld [tilespmem:s28+$0xC0]  }
0x90: {  	v26 =	vld [tilespmem:s28+$0x50]  }
0x91: {  	v27 =	vld [tilespmem:s28+$0xD0]  }
0x92: {  	v28 =	vld [tilespmem:s28+$0x60]  }
0x93: {  	v29 =	vld [tilespmem:s28+$0xE0]  }
0x94: {  	v30 =	vld [tilespmem:s28+$0xFFFFFF00]  }
0x95: {  	v3 =	vld.idx.msk [tilespmem:v3+s3+$0x0], $0xffff  }
0x96: {  	v7 =	vld.idx.msk [tilespmem:v7+s3+$0x0], $0xffff  }
0x97: {  	v2 =	vld.idx.msk [tilespmem:v2+s3+$0x0], $0xffff  }
0x98: {  	v5 =	vld.idx.msk [tilespmem:v5+s3+$0x0], $0xffff  }
0x99: {  	v4 =	vld.idx.msk [tilespmem:v4+s3+$0x0], $0xffff  }
0x9a: {  	v6 =	vld.idx.msk [tilespmem:v6+s3+$0x0], $0xffff  }
0x9b: {  	v9 =	vld.idx.msk [tilespmem:v9+s3+$0x0], $0xffff  }
0x9c: {  	v30 =	vld.idx.msk [tilespmem:v30+s3+$0x0], $0xffff  }
0x9d: {  	v2 =	vmul.f32 v2, v7;
	v7 =	vld.idx.msk [tilespmem:v10+s3+$0x0], $0xffff  }
0x9e: {  	v10 =	vld.idx.msk [tilespmem:v11+s3+$0x0], $0xffff  }
0x9f: {  	[tilespmem:s22+$0xFFFFFF90] =	vst v2;
	v2 =	vmul.f32 v4, v5;
	v4 =	vld.idx.msk [tilespmem:v12+s3+$0x0], $0xffff  }
0xa0: {  	v5 =	vld.idx.msk [tilespmem:v13+s3+$0x0], $0xffff  }
0xa1: {  	[tilespmem:s22+$0xFFFFFFA0] =	vst v2;
	v2 =	vmul.f32 v9, v6;
	v6 =	vld.idx.msk [tilespmem:v14+s3+$0x0], $0xffff  }
0xa2: {  	v3 =	vmul.f32 v3, v30;
	v8 =	vld.idx.msk [tilespmem:v8+s3+$0x0], $0xffff  }
0xa3: {  	[tilespmem:s22+$0xFFFFFFB0] =	vst v2;
	v2 =	vld.idx.msk [tilespmem:v15+s3+$0x0], $0xffff  }
0xa4: {  	[tilespmem:s22+$0xFFFFFF80] =	vst v3;
	v3 =	vmul.f32 v10, v7;
	v1 =	vld.idx.msk [tilespmem:v1+s3+$0x0], $0xffff  }
0xa5: {  	v7 =	vld.idx.msk [tilespmem:v16+s3+$0x0], $0xffff  }
0xa6: {  	[tilespmem:s22+$0xFFFFFFC0] =	vst v3;
	v3 =	vmul.f32 v5, v4;
	v4 =	vld.idx.msk [tilespmem:v17+s3+$0x0], $0xffff  }
0xa7: {  	v5 =	vld.idx.msk [tilespmem:v18+s3+$0x0], $0xffff  }
0xa8: {  	[tilespmem:s22+$0xFFFFFFD0] =	vst v3;
	v3 =	vmul.f32 v8, v6;
	v6 =	vld.idx.msk [tilespmem:v19+s3+$0x0], $0xffff  }
0xa9: {  	v8 =	vld.idx.msk [tilespmem:v20+s3+$0x0], $0xffff  }
0xaa: {  	v1 =	vmul.f32 v1, v2;
	[tilespmem:s22+$0xFFFFFFE0] =	vst v3;
	v9 =	vld.idx.msk [tilespmem:v21+s3+$0x0], $0xffff  }
0xab: {  	v10 =	vld.idx.msk [tilespmem:v22+s3+$0x0], $0xffff  }
0xac: {  	v2 =	vmul.f32 v4, v7;
	[tilespmem:s22+$0xFFFFFFF0] =	vst v1;
	v7 =	vld.idx.msk [tilespmem:v23+s3+$0x0], $0xffff  }
0xad: {  	v1 =	vld.idx.msk [tilespmem:v24+s3+$0x0], $0xffff  }
.Ltmp3:
0xae: {  	v4 =	vmul.f32 v6, v5;
	[tilespmem:s22+$0x0] =	vst v2;
	v3 =	vld.idx.msk [tilespmem:v25+s3+$0x0], $0xffff;
	(pc) =	sbr.rel @p2 .LBB2_3-.Ltmp3, $4  }
0xaf: {  	v2 =	vld.idx.msk [tilespmem:v26+s3+$0x0], $0xffff  }
0xb0: {  	v6 =	vmul.f32 v9, v8;
	[tilespmem:s22+$0x10] =	vst v4;
	v5 =	vld.idx.msk [tilespmem:v27+s3+$0x0], $0xffff  }
0xb1: {  	v4 =	vld.idx.msk [tilespmem:v28+s3+$0x0], $0xffff  }
0xb2: {  	s28 =	sadd.s32 $0x200, s28;
	v7 =	vmul.f32 v7, v10;
	[tilespmem:s22+$0x20] =	vst v6;
	v6 =	vld.idx.msk [tilespmem:v29+s3+$0x0], $0xffff  }
0xb3: {  	_ =	sdelay $0x1  }
0xb4: {  	v1 =	vmul.f32 v3, v1  }
0xb5: {  	[tilespmem:s22+$0x30] =	vst v7;
	v2 =	vmul.f32 v5, v2  }
0xb6: {  	[tilespmem:s22+$0x40] =	vst v1;
	v1 =	vmul.f32 v6, v4  }
0xb7: {  	[tilespmem:s22+$0x50] =	vst v2  }
0xb8: {  	[tilespmem:s22+$0x60] =	vst v1  }
.LBB2_5:
0xb9: {  	s22 =	sand.u32 $0x3FFFFF00, s23  }
0xba: {  	s26 =	sadd.s32 s22, s29  }
0xbb: {  	s22 =	sadd.s32 s22, s25;
	v1 =	vld [tilespmem:s26+$0x0]  }
0xbc: {  	v2 =	vld [tilespmem:s22+$0x0];
	_ =	sdelay $0x6  }
0xbd: {  	v1 =	vld.idx.msk [tilespmem:v1+s3+$0x0], $0xffff  }
0xbe: {  	v2 =	vld.idx.msk [tilespmem:v2+s3+$0x0], $0xffff;
	_ =	sdelay $0x1  }
0xbf: {  	p2 =	sne.s32 s23, $0x26E0  }
.Ltmp4:
0xc0: {  	_ = 	snop;
	(pc) =	sbr.rel @p2 .LBB2_5-.Ltmp4, $4  }
0xc1: {  	_ = 	snop  }
0xc2: {  	v1 =	vmul.f32 v2, v1  }
0xc3: {  	s23 =	sadd.s32 $0x20, s23  }
0xc4: {  	s25 =	sadd.s32 $0x10, s25;
	s29 =	sadd.s32 $0x10, s29;
	[tilespmem:s24+$0x0] =	vst v1;
	s24 =	sadd.s32 $0x10, s24  }
0xc5: {  	[hbm4b:s6+s3] =	stream.linear.scatter [tilespmem:s15], [sflag:$0x4], $0x1380, $0x38;
	[tilespmem:$0xA000] =	vst v63  }
0xc6: {  	_ =	swait.ge [sflag:s16], $0x2800  }
0xc7: {  	[sflag:s16] =	ssyncset.done $0x0  }
0xc8: {  	s22 =	simm.s32 $0x5070;
	[sflag:s16] =	ssyncadd.s32 $0xFFFFD800  }
0xc9: {  	v1 =	vld [tilespmem:s22+$0xFFFFFF80]  }
0xca: {  	v2 =	vld [tilespmem:s22+$0x0]  }
0xcb: {  	v3 =	vld [tilespmem:s22+$0xFFFFFE90]  }
0xcc: {  	v4 =	vld [tilespmem:s22+$0xFFFFFE20]  }
0xcd: {  	v5 =	vld [tilespmem:s22+$0xFFFFFEA0]  }
0xce: {  	v6 =	vld [tilespmem:s22+$0xFFFFFE30]  }
0xcf: {  	v7 =	vld [tilespmem:s22+$0xFFFFFEB0]  }
0xd0: {  	v8 =	vld [tilespmem:s22+$0xFFFFFE40]  }
0xd1: {  	v9 =	vld [tilespmem:s22+$0xFFFFFEC0]  }
0xd2: {  	v10 =	vld [tilespmem:s22+$0xFFFFFE50]  }
0xd3: {  	v11 =	vld [tilespmem:s22+$0xFFFFFED0]  }
0xd4: {  	v12 =	vld [tilespmem:s22+$0xFFFFFE60]  }
0xd5: {  	v13 =	vld [tilespmem:s22+$0xFFFFFEE0]  }
0xd6: {  	v14 =	vld [tilespmem:s22+$0xFFFFFE70]  }
0xd7: {  	v15 =	vld [tilespmem:s22+$0xFFFFFEF0]  }
0xd8: {  	v16 =	vld [tilespmem:s22+$0xFFFFFE80]  }
0xd9: {  	v17 =	vld [tilespmem:s22+$0xFFFFFF00]  }
0xda: {  	v18 =	vld [tilespmem:s22+$0xFFFFFF10]  }
0xdb: {  	v19 =	vld [tilespmem:s22+$0xFFFFFF90]  }
0xdc: {  	v20 =	vld [tilespmem:s22+$0xFFFFFF20]  }
0xdd: {  	v21 =	vld [tilespmem:s22+$0xFFFFFFA0]  }
0xde: {  	v22 =	vld [tilespmem:s22+$0xFFFFFF30]  }
0xdf: {  	v23 =	vld [tilespmem:s22+$0xFFFFFFB0]  }
0xe0: {  	v24 =	vld [tilespmem:s22+$0xFFFFFF40]  }
0xe1: {  	v25 =	vld [tilespmem:s22+$0xFFFFFFC0]  }
0xe2: {  	v26 =	vld [tilespmem:s22+$0xFFFFFF50]  }
0xe3: {  	v27 =	vld [tilespmem:s22+$0xFFFFFFD0]  }
0xe4: {  	v28 =	vld [tilespmem:s22+$0xFFFFFF60]  }
0xe5: {  	v29 =	vld [tilespmem:s22+$0xFFFFFFE0]  }
0xe6: {  	v30 =	vld [tilespmem:s22+$0xFFFFFF70]  }
0xe7: {  	v31 =	vld [tilespmem:s22+$0xFFFFFFF0]  }
0xe8: {  	v32 =	vld [tilespmem:s22+$0xFFFFFE10]  }
0xe9: {  	v1 =	vld.idx.msk [tilespmem:v1+s3+$0x0], $0xffff  }
0xea: {  	v2 =	vld.idx.msk [tilespmem:v2+s3+$0x0], $0xffff  }
0xeb: {  	v3 =	vld.idx.msk [tilespmem:v3+s3+$0x0], $0xffff  }
0xec: {  	v4 =	vld.idx.msk [tilespmem:v4+s3+$0x0], $0xffff  }
0xed: {  	v5 =	vld.idx.msk [tilespmem:v5+s3+$0x0], $0xffff  }
0xee: {  	v6 =	vld.idx.msk [tilespmem:v6+s3+$0x0], $0xffff  }
0xef: {  	v7 =	vld.idx.msk [tilespmem:v7+s3+$0x0], $0xffff  }
0xf0: {  	v8 =	vld.idx.msk [tilespmem:v8+s3+$0x0], $0xffff  }
0xf1: {  	v9 =	vld.idx.msk [tilespmem:v9+s3+$0x0], $0xffff  }
0xf2: {  	v32 =	vld.idx.msk [tilespmem:v32+s3+$0x0], $0xffff  }
0xf3: {  	v10 =	vld.idx.msk [tilespmem:v10+s3+$0x0], $0xffff  }
0xf4: {  	v11 =	vld.idx.msk [tilespmem:v11+s3+$0x0], $0xffff  }
0xf5: {  	v12 =	vld.idx.msk [tilespmem:v12+s3+$0x0], $0xffff  }
0xf6: {  	v13 =	vld.idx.msk [tilespmem:v13+s3+$0x0], $0xffff  }
0xf7: {  	v16 =	vld.idx.msk [tilespmem:v16+s3+$0x0], $0xffff  }
0xf8: {  	v17 =	vld.idx.msk [tilespmem:v17+s3+$0x0], $0xffff  }
0xf9: {  	v14 =	vld.idx.msk [tilespmem:v14+s3+$0x0], $0xffff  }
0xfa: {  	v15 =	vld.idx.msk [tilespmem:v15+s3+$0x0], $0xffff  }
0xfb: {  	v61 =	vld.idx.msk [tilespmem:v24+s3+$0x0], $0xffff;
	v1 =	vmul.f32 v2, v1  }
0xfc: {  	s22 =	simm.s32 $0x8AF0;
	v2 =	vld.idx.msk [tilespmem:v18+s3+$0x0], $0xffff;
	v4 =	vmul.f32 v5, v4  }
0xfd: {  	v5 =	vld.idx.msk [tilespmem:v19+s3+$0x0], $0xffff;
	v63 =	vmul.f32 v17, v16;
	[tilespmem:s22+$0x0] =	vst v1  }
0xfe: {  	v1 =	vmul.f32 v7, v6;
	v6 =	vld.idx.msk [tilespmem:v20+s3+$0x0], $0xffff;
	[tilespmem:s22+$0xFFFFFF20] =	vst v4  }
0xff: {  	v4 =	vmul.f32 v9, v8;
	v7 =	vld.idx.msk [tilespmem:v21+s3+$0x0], $0xffff;
	[tilespmem:s22+$0xFFFFFF80] =	vst v63  }
0x100: {  	v8 =	vld.idx.msk [tilespmem:v23+s3+$0x0], $0xffff;
	[tilespmem:s22+$0xFFFFFF30] =	vst v1;
	v1 =	vmul.f32 v3, v32  }
0x101: {  	v3 =	vld.idx.msk [tilespmem:v22+s3+$0x0], $0xffff;
	[tilespmem:s22+$0xFFFFFF40] =	vst v4;
	v4 =	vmul.f32 v11, v10  }
0x102: {  	v62 =	vld.idx.msk [tilespmem:v25+s3+$0x0], $0xffff;
	[tilespmem:s22+$0xFFFFFF10] =	vst v1;
	v1 =	vmul.f32 v13, v12  }
0x103: {  	v5 =	vmul.f32 v5, v2;
	v2 =	vld.idx.msk [tilespmem:v28+s3+$0x0], $0xffff;
	[tilespmem:s22+$0xFFFFFF50] =	vst v4;
	v4 =	vmul.f32 v15, v14  }
0x104: {  	[tilespmem:s22+$0xFFFFFF60] =	vst v1;
	v1 =	vld.idx.msk [tilespmem:v26+s3+$0x0], $0xffff  }
0x105: {  	v6 =	vmul.f32 v7, v6;
	[tilespmem:s22+$0xFFFFFF70] =	vst v4;
	v4 =	vld.idx.msk [tilespmem:v27+s3+$0x0], $0xffff  }
0x106: {  	[tilespmem:s22+$0xFFFFFF90] =	vst v5;
	v5 =	vld.idx.msk [tilespmem:v29+s3+$0x0], $0xffff;
	v7 =	vmul.f32 v8, v3  }
0x107: {  	[tilespmem:s22+$0xFFFFFFA0] =	vst v6;
	v3 =	vld.idx.msk [tilespmem:v30+s3+$0x0], $0xffff  }
0x108: {  	s23 =	simm.s32 $0x138;
	s24 =	simm.s32 $0x5270;
	v6 =	vld.idx.msk [tilespmem:v31+s3+$0x0], $0xffff;
	[tilespmem:s22+$0xFFFFFFB0] =	vst v7;
	v7 =	vmul.f32 v62, v61  }
.LBB2_7:
0x109: {  	v8 =	vld [tilespmem:s24+$0xFFFFFF80]  }
0x10a: {  	s23 =	sadd.s32 $0x10, s23;
	v1 =	vmul.f32 v4, v1;
	v9 =	vld [tilespmem:s24+$0x0];
	[tilespmem:s22+$0xFFFFFFC0] =	vst v7  }
0x10b: {  	p2 =	slt.u32 s23, $0x268;
	v4 =	vld [tilespmem:s24+$0xFFFFFE90]  }
0x10c: {  	v7 =	vld [tilespmem:s24+$0xFFFFFE20];
	[tilespmem:s22+$0xFFFFFFD0] =	vst v1;
	v1 =	vmul.f32 v5, v2  }
0x10d: {  	v2 =	vld [tilespmem:s24+$0xFFFFFEA0]  }
0x10e: {  	v5 =	vld [tilespmem:s24+$0xFFFFFE30];
	[tilespmem:s22+$0xFFFFFFE0] =	vst v1;
	v1 =	vmul.f32 v6, v3  }
0x10f: {  	v3 =	vld [tilespmem:s24+$0xFFFFFEB0]  }
0x110: {  	v6 =	vld [tilespmem:s24+$0xFFFFFE40];
	[tilespmem:s22+$0xFFFFFFF0] =	vst v1  }
0x111: {  	v1 =	vld.idx.msk [tilespmem:v8+s3+$0x0], $0xffff  }
0x112: {  	v8 =	vld.idx.msk [tilespmem:v9+s3+$0x0], $0xffff  }
0x113: {  	v9 =	vld [tilespmem:s24+$0xFFFFFEC0]  }
0x114: {  	v10 =	vld [tilespmem:s24+$0xFFFFFE50]  }
0x115: {  	v11 =	vld [tilespmem:s24+$0xFFFFFED0]  }
0x116: {  	v12 =	vld [tilespmem:s24+$0xFFFFFE60]  }
0x117: {  	v13 =	vld [tilespmem:s24+$0xFFFFFEE0]  }
0x118: {  	v1 =	vmul.f32 v8, v1;
	v14 =	vld [tilespmem:s24+$0xFFFFFE70]  }
0x119: {  	s22 =	sadd.s32 $0x100, s22;
	v8 =	vld [tilespmem:s24+$0xFFFFFEF0]  }
0x11a: {  	v15 =	vld [tilespmem:s24+$0xFFFFFE80];
	[tilespmem:s22+$0x0] =	vst v1  }
0x11b: {  	v1 =	vld [tilespmem:s24+$0xFFFFFF00]  }
0x11c: {  	v16 =	vld [tilespmem:s24+$0xFFFFFF10]  }
0x11d: {  	v17 =	vld [tilespmem:s24+$0xFFFFFF90]  }
0x11e: {  	v18 =	vld [tilespmem:s24+$0xFFFFFF20]  }
0x11f: {  	v19 =	vld [tilespmem:s24+$0xFFFFFFA0]  }
0x120: {  	v20 =	vld [tilespmem:s24+$0xFFFFFF30]  }
0x121: {  	v21 =	vld [tilespmem:s24+$0xFFFFFFB0]  }
0x122: {  	v22 =	vld [tilespmem:s24+$0xFFFFFF40]  }
0x123: {  	v23 =	vld [tilespmem:s24+$0xFFFFFFC0]  }
0x124: {  	v24 =	vld [tilespmem:s24+$0xFFFFFF50]  }
0x125: {  	v25 =	vld [tilespmem:s24+$0xFFFFFFD0]  }
0x126: {  	v26 =	vld [tilespmem:s24+$0xFFFFFF60]  }
0x127: {  	v27 =	vld [tilespmem:s24+$0xFFFFFFE0]  }
0x128: {  	v28 =	vld [tilespmem:s24+$0xFFFFFF70]  }
0x129: {  	v29 =	vld [tilespmem:s24+$0xFFFFFFF0]  }
0x12a: {  	v30 =	vld [tilespmem:s24+$0xFFFFFE10]  }
0x12b: {  	v4 =	vld.idx.msk [tilespmem:v4+s3+$0x0], $0xffff  }
0x12c: {  	v7 =	vld.idx.msk [tilespmem:v7+s3+$0x0], $0xffff  }
0x12d: {  	v2 =	vld.idx.msk [tilespmem:v2+s3+$0x0], $0xffff  }
0x12e: {  	v5 =	vld.idx.msk [tilespmem:v5+s3+$0x0], $0xffff  }
0x12f: {  	v3 =	vld.idx.msk [tilespmem:v3+s3+$0x0], $0xffff  }
0x130: {  	v6 =	vld.idx.msk [tilespmem:v6+s3+$0x0], $0xffff  }
0x131: {  	v9 =	vld.idx.msk [tilespmem:v9+s3+$0x0], $0xffff  }
0x132: {  	v30 =	vld.idx.msk [tilespmem:v30+s3+$0x0], $0xffff  }
0x133: {  	v2 =	vmul.f32 v2, v7;
	v7 =	vld.idx.msk [tilespmem:v10+s3+$0x0], $0xffff  }
0x134: {  	v10 =	vld.idx.msk [tilespmem:v11+s3+$0x0], $0xffff  }
0x135: {  	[tilespmem:s22+$0xFFFFFF20] =	vst v2;
	v2 =	vmul.f32 v3, v5;
	v3 =	vld.idx.msk [tilespmem:v12+s3+$0x0], $0xffff  }
0x136: {  	v5 =	vld.idx.msk [tilespmem:v13+s3+$0x0], $0xffff  }
0x137: {  	[tilespmem:s22+$0xFFFFFF30] =	vst v2;
	v2 =	vmul.f32 v9, v6;
	v6 =	vld.idx.msk [tilespmem:v14+s3+$0x0], $0xffff  }
0x138: {  	v4 =	vmul.f32 v4, v30;
	v8 =	vld.idx.msk [tilespmem:v8+s3+$0x0], $0xffff  }
0x139: {  	[tilespmem:s22+$0xFFFFFF40] =	vst v2;
	v2 =	vld.idx.msk [tilespmem:v15+s3+$0x0], $0xffff  }
0x13a: {  	[tilespmem:s22+$0xFFFFFF10] =	vst v4;
	v4 =	vmul.f32 v10, v7;
	v1 =	vld.idx.msk [tilespmem:v1+s3+$0x0], $0xffff  }
0x13b: {  	v7 =	vld.idx.msk [tilespmem:v16+s3+$0x0], $0xffff  }
0x13c: {  	v3 =	vmul.f32 v5, v3;
	[tilespmem:s22+$0xFFFFFF50] =	vst v4;
	v4 =	vld.idx.msk [tilespmem:v17+s3+$0x0], $0xffff  }
0x13d: {  	v5 =	vld.idx.msk [tilespmem:v18+s3+$0x0], $0xffff  }
0x13e: {  	[tilespmem:s22+$0xFFFFFF60] =	vst v3;
	v3 =	vmul.f32 v8, v6;
	v6 =	vld.idx.msk [tilespmem:v19+s3+$0x0], $0xffff  }
0x13f: {  	v8 =	vld.idx.msk [tilespmem:v20+s3+$0x0], $0xffff  }
0x140: {  	v1 =	vmul.f32 v1, v2;
	[tilespmem:s22+$0xFFFFFF70] =	vst v3;
	v3 =	vld.idx.msk [tilespmem:v21+s3+$0x0], $0xffff  }
0x141: {  	v9 =	vld.idx.msk [tilespmem:v22+s3+$0x0], $0xffff  }
0x142: {  	v2 =	vmul.f32 v4, v7;
	[tilespmem:s22+$0xFFFFFF80] =	vst v1;
	v7 =	vld.idx.msk [tilespmem:v23+s3+$0x0], $0xffff  }
0x143: {  	v1 =	vld.idx.msk [tilespmem:v24+s3+$0x0], $0xffff  }
.Ltmp5:
0x144: {  	v5 =	vmul.f32 v6, v5;
	[tilespmem:s22+$0xFFFFFF90] =	vst v2;
	v4 =	vld.idx.msk [tilespmem:v25+s3+$0x0], $0xffff;
	(pc) =	sbr.rel @p2 .LBB2_7-.Ltmp5, $4  }
0x145: {  	v2 =	vld.idx.msk [tilespmem:v26+s3+$0x0], $0xffff  }
0x146: {  	v6 =	vmul.f32 v3, v8;
	[tilespmem:s22+$0xFFFFFFA0] =	vst v5;
	v5 =	vld.idx.msk [tilespmem:v27+s3+$0x0], $0xffff  }
0x147: {  	v3 =	vld.idx.msk [tilespmem:v28+s3+$0x0], $0xffff  }
0x148: {  	s24 =	sadd.s32 $0x200, s24;
	v7 =	vmul.f32 v7, v9;
	[tilespmem:s22+$0xFFFFFFB0] =	vst v6;
	v6 =	vld.idx.msk [tilespmem:v29+s3+$0x0], $0xffff  }
0x149: {  	_ =	sdelay $0x1  }
0x14a: {  	v1 =	vmul.f32 v4, v1  }
0x14b: {  	[tilespmem:s22+$0xFFFFFFC0] =	vst v7;
	v2 =	vmul.f32 v5, v2  }
0x14c: {  	[tilespmem:s22+$0xFFFFFFD0] =	vst v1;
	v1 =	vmul.f32 v6, v3  }
0x14d: {  	[tilespmem:s22+$0xFFFFFFE0] =	vst v2  }
0x14e: {  	s31 =	simm.s32 $0x0;
	s23 =	simm.s32 $0x40;
	[tilespmem:s22+$0xFFFFFFF0] =	vst v1;
	s22 =	simm.s32 $0x0  }
0x14f: {  	[hbm4b:s7+s31] =	stream.linear.scatter [tilespmem:s17], [sflag:$0x4], $0x1400, $0x38;
	[tilespmem:$0xA000] =	vst v63  }
.LBB2_9:
0x150: {  	p2 =	sne.s32 s23, $0x600;
	v1 =	vld.idx.msk [tilespmem:v0+s22+$0x0 ss:$0x1], $0xffff;
	_ =	sdelay $0x3  }
.Ltmp6:
0x151: {  	(pc) =	sbr.rel @p2 .LBB2_9-.Ltmp6, $3  }
0x152: {  	_ = 	snop  }
0x153: {  	v1 =	vmul.f32 v1, v1;
	_ =	sdelay $0x1  }
0x154: {  	[tilespmem:s22+$0x9E00] =	vst v1;
	s22 =	sshra.s32 s23, $0x2;
	s23 =	sadd.s32 $0x40, s23  }
0x155: {  	_ =	sdelay $0x3  }
0x156: {  	v1 =	vld.idx.msk [tilespmem:v0+s22+$0x0 ss:$0x1], $0xffff;
	_ =	sdelay $0x4  }
0x157: {  	v1 =	vmul.f32 v1, v1;
	_ =	sdelay $0x1  }
0x158: {  	[tilespmem:s22+$0x9E00] =	vst v1  }
0x159: {  	[hbm4b:s8+s3] =	stream.linear.scatter [tilespmem:s18], [sflag:$0x5], $0x190, $0x38;
	[tilespmem:$0xA000] =	vst v63  }
0x15a: {  	_ =	swait.ge [sflag:s19], $0x190  }
0x15b: {  	[sflag:s19] =	ssyncset.done $0x0  }
0x15c: {  	[sflag:s19] =	ssyncadd.s32 $0xFFFFFE70  }
0x15d: {  	_ =	swait.ge [sflag:s20], $0x1380  }
.Ltmp7:
0x15e: {  	[sflag:s20] =	ssyncset.done $0x0;
	(pc) =	sbr.rel .LBB2_24-.Ltmp7, $4  }
0x15f: {  	[sflag:s20] =	ssyncadd.s32 $0xFFFFEC80  }
0x160: {  	_ =	swait.ge [sflag:s20], $0x1400  }
0x161: {  	[sflag:s20] =	ssyncset.done $0x0  }
0x162: {  	[sflag:s20] =	ssyncadd.s32 $0xFFFFEC00  }
.LBB2_11:
0x163: {  	[tilespmem:s11], [sflag:$0x2] =	stream.linear.gather [hbm4b:s4+s3], $0x2700, $0x38;
	[tilespmem:$0xA000] =	vst v63  }
0x164: {  	_ = 	snop  }
0x165: {  	[tilespmem:s12], [sflag:$0x3] =	stream.linear.gather [hbm4b:s5+s3], $0x2700, $0x38;
	[tilespmem:$0xA000] =	vst v63  }
0x166: {  	_ =	swait.ge [sflag:s13], $0x2780  }
0x167: {  	[sflag:s13] =	ssyncset.done $0x0  }
0x168: {  	[sflag:s13] =	ssyncadd.s32 $0xFFFFD880  }
0x169: {  	_ =	swait.ge [sflag:s14], $0x2700  }
0x16a: {  	[sflag:s14] =	ssyncset.done $0x0  }
0x16b: {  	s22 =	simm.s32 $0x2880;
	[sflag:s14] =	ssyncadd.s32 $0xFFFFD900  }
0x16c: {  	v1 =	vld [tilespmem:s22+$0x70]  }
0x16d: {  	v2 =	vld [tilespmem:s22+$0xF0]  }
0x16e: {  	v3 =	vld [tilespmem:s22+$0xFFFFFF80]  }
0x16f: {  	v4 =	vld [tilespmem:s22+$0xFFFFFF10]  }
0x170: {  	v5 =	vld [tilespmem:s22+$0xFFFFFF90]  }
0x171: {  	v6 =	vld [tilespmem:s22+$0xFFFFFF20]  }
0x172: {  	v7 =	vld [tilespmem:s22+$0xFFFFFFA0]  }
0x173: {  	v8 =	vld [tilespmem:s22+$0xFFFFFF30]  }
0x174: {  	v9 =	vld [tilespmem:s22+$0xFFFFFFB0]  }
0x175: {  	v10 =	vld [tilespmem:s22+$0xFFFFFF40]  }
0x176: {  	v11 =	vld [tilespmem:s22+$0xFFFFFFC0]  }
0x177: {  	v12 =	vld [tilespmem:s22+$0xFFFFFF50]  }
0x178: {  	v13 =	vld [tilespmem:s22+$0xFFFFFFD0]  }
0x179: {  	v14 =	vld [tilespmem:s22+$0xFFFFFF60]  }
0x17a: {  	v15 =	vld [tilespmem:s22+$0xFFFFFFE0]  }
0x17b: {  	v16 =	vld [tilespmem:s22+$0xFFFFFF70]  }
0x17c: {  	v17 =	vld [tilespmem:s22+$0xFFFFFFF0]  }
0x17d: {  	v18 =	vld [tilespmem:s22+$0x0]  }
0x17e: {  	v19 =	vld [tilespmem:s22+$0x80]  }
0x17f: {  	v20 =	vld [tilespmem:s22+$0x10]  }
0x180: {  	v21 =	vld [tilespmem:s22+$0x90]  }
0x181: {  	v22 =	vld [tilespmem:s22+$0x20]  }
0x182: {  	v23 =	vld [tilespmem:s22+$0xA0]  }
0x183: {  	v24 =	vld [tilespmem:s22+$0x30]  }
0x184: {  	v25 =	vld [tilespmem:s22+$0xB0]  }
0x185: {  	v26 =	vld [tilespmem:s22+$0x40]  }
0x186: {  	v27 =	vld [tilespmem:s22+$0xC0]  }
0x187: {  	v28 =	vld [tilespmem:s22+$0x50]  }
0x188: {  	v29 =	vld [tilespmem:s22+$0xD0]  }
0x189: {  	v30 =	vld [tilespmem:s22+$0x60]  }
0x18a: {  	v31 =	vld [tilespmem:s22+$0xE0]  }
0x18b: {  	v32 =	vld [tilespmem:s22+$0xFFFFFF00]  }
0x18c: {  	v1 =	vld.idx.msk [tilespmem:v1+s3+$0x0], $0xffff  }
0x18d: {  	v2 =	vld.idx.msk [tilespmem:v2+s3+$0x0], $0xffff  }
0x18e: {  	v3 =	vld.idx.msk [tilespmem:v3+s3+$0x0], $0xffff  }
0x18f: {  	v4 =	vld.idx.msk [tilespmem:v4+s3+$0x0], $0xffff  }
0x190: {  	v5 =	vld.idx.msk [tilespmem:v5+s3+$0x0], $0xffff  }
0x191: {  	v6 =	vld.idx.msk [tilespmem:v6+s3+$0x0], $0xffff  }
0x192: {  	v7 =	vld.idx.msk [tilespmem:v7+s3+$0x0], $0xffff  }
0x193: {  	v8 =	vld.idx.msk [tilespmem:v8+s3+$0x0], $0xffff  }
0x194: {  	v9 =	vld.idx.msk [tilespmem:v9+s3+$0x0], $0xffff  }
0x195: {  	v32 =	vld.idx.msk [tilespmem:v32+s3+$0x0], $0xffff  }
0x196: {  	v10 =	vld.idx.msk [tilespmem:v10+s3+$0x0], $0xffff  }
0x197: {  	v11 =	vld.idx.msk [tilespmem:v11+s3+$0x0], $0xffff  }
0x198: {  	v12 =	vld.idx.msk [tilespmem:v12+s3+$0x0], $0xffff  }
0x199: {  	v13 =	vld.idx.msk [tilespmem:v13+s3+$0x0], $0xffff  }
0x19a: {  	v16 =	vld.idx.msk [tilespmem:v16+s3+$0x0], $0xffff  }
0x19b: {  	v17 =	vld.idx.msk [tilespmem:v17+s3+$0x0], $0xffff  }
0x19c: {  	v14 =	vld.idx.msk [tilespmem:v14+s3+$0x0], $0xffff  }
0x19d: {  	v15 =	vld.idx.msk [tilespmem:v15+s3+$0x0], $0xffff  }
0x19e: {  	v61 =	vld.idx.msk [tilespmem:v24+s3+$0x0], $0xffff;
	v1 =	vmul.f32 v2, v1  }
0x19f: {  	s22 =	simm.s32 $0x7700;
	v2 =	vld.idx.msk [tilespmem:v18+s3+$0x0], $0xffff;
	v4 =	vmul.f32 v5, v4  }
0x1a0: {  	v5 =	vld.idx.msk [tilespmem:v19+s3+$0x0], $0xffff;
	v63 =	vmul.f32 v17, v16;
	[tilespmem:s22+$0x70] =	vst v1  }
0x1a1: {  	v1 =	vmul.f32 v7, v6;
	v6 =	vld.idx.msk [tilespmem:v20+s3+$0x0], $0xffff;
	[tilespmem:s22+$0xFFFFFF90] =	vst v4  }
0x1a2: {  	v4 =	vmul.f32 v9, v8;
	v7 =	vld.idx.msk [tilespmem:v21+s3+$0x0], $0xffff;
	[tilespmem:s22+$0xFFFFFFF0] =	vst v63  }
0x1a3: {  	v8 =	vld.idx.msk [tilespmem:v22+s3+$0x0], $0xffff;
	[tilespmem:s22+$0xFFFFFFA0] =	vst v1;
	v1 =	vmul.f32 v3, v32  }
0x1a4: {  	[tilespmem:s22+$0xFFFFFFB0] =	vst v4;
	v3 =	vmul.f32 v11, v10;
	v4 =	vld.idx.msk [tilespmem:v23+s3+$0x0], $0xffff  }
0x1a5: {  	v62 =	vld.idx.msk [tilespmem:v25+s3+$0x0], $0xffff;
	[tilespmem:s22+$0xFFFFFF80] =	vst v1;
	v1 =	vmul.f32 v13, v12  }
0x1a6: {  	v5 =	vmul.f32 v5, v2;
	v2 =	vld.idx.msk [tilespmem:v28+s3+$0x0], $0xffff;
	[tilespmem:s22+$0xFFFFFFC0] =	vst v3;
	v3 =	vmul.f32 v15, v14  }
0x1a7: {  	[tilespmem:s22+$0xFFFFFFD0] =	vst v1;
	v1 =	vld.idx.msk [tilespmem:v26+s3+$0x0], $0xffff  }
0x1a8: {  	v6 =	vmul.f32 v7, v6;
	[tilespmem:s22+$0xFFFFFFE0] =	vst v3;
	v3 =	vld.idx.msk [tilespmem:v27+s3+$0x0], $0xffff  }
0x1a9: {  	[tilespmem:s22+$0x0] =	vst v5;
	v5 =	vld.idx.msk [tilespmem:v29+s3+$0x0], $0xffff;
	v7 =	vmul.f32 v4, v8  }
0x1aa: {  	s26 =	simm.s32 $0x0;
	s23 =	simm.s32 $0x2600;
	[tilespmem:s22+$0x10] =	vst v6;
	v4 =	vld.idx.msk [tilespmem:v30+s3+$0x0], $0xffff  }
0x1ab: {  	s24 =	simm.s32 $0x8980;
	s25 =	simm.s32 $0x2800;
	s28 =	simm.s32 $0x2A80;
	v6 =	vld.idx.msk [tilespmem:v31+s3+$0x0], $0xffff;
	[tilespmem:s22+$0x20] =	vst v7;
	v7 =	vmul.f32 v62, v61  }
.LBB2_12:
0x1ac: {  	v8 =	vld [tilespmem:s28+$0x70]  }
0x1ad: {  	s26 =	sadd.s32 $0x10, s26;
	v1 =	vmul.f32 v3, v1;
	v9 =	vld [tilespmem:s28+$0xF0];
	[tilespmem:s22+$0x30] =	vst v7  }
0x1ae: {  	p2 =	slt.u32 s26, $0x120;
	v3 =	vld [tilespmem:s28+$0xFFFFFF80]  }
0x1af: {  	v7 =	vld [tilespmem:s28+$0xFFFFFF10];
	[tilespmem:s22+$0x40] =	vst v1;
	v1 =	vmul.f32 v5, v2  }
0x1b0: {  	v2 =	vld [tilespmem:s28+$0xFFFFFF90]  }
0x1b1: {  	v5 =	vld [tilespmem:s28+$0xFFFFFF20];
	[tilespmem:s22+$0x50] =	vst v1;
	v1 =	vmul.f32 v6, v4  }
0x1b2: {  	v4 =	vld [tilespmem:s28+$0xFFFFFFA0]  }
0x1b3: {  	v6 =	vld [tilespmem:s28+$0xFFFFFF30];
	[tilespmem:s22+$0x60] =	vst v1  }
0x1b4: {  	v1 =	vld.idx.msk [tilespmem:v8+s3+$0x0], $0xffff  }
0x1b5: {  	v8 =	vld.idx.msk [tilespmem:v9+s3+$0x0], $0xffff  }
0x1b6: {  	v9 =	vld [tilespmem:s28+$0xFFFFFFB0]  }
0x1b7: {  	v10 =	vld [tilespmem:s28+$0xFFFFFF40]  }
0x1b8: {  	v11 =	vld [tilespmem:s28+$0xFFFFFFC0]  }
0x1b9: {  	v12 =	vld [tilespmem:s28+$0xFFFFFF50]  }
0x1ba: {  	v13 =	vld [tilespmem:s28+$0xFFFFFFD0]  }
0x1bb: {  	v1 =	vmul.f32 v8, v1;
	v14 =	vld [tilespmem:s28+$0xFFFFFF60]  }
0x1bc: {  	s29 =	simm.s32 $0x2780;
	s22 =	sadd.s32 $0x100, s22;
	v8 =	vld [tilespmem:s28+$0xFFFFFFE0]  }
0x1bd: {  	v15 =	vld [tilespmem:s28+$0xFFFFFF70];
	[tilespmem:s22+$0x70] =	vst v1  }
0x1be: {  	v1 =	vld [tilespmem:s28+$0xFFFFFFF0]  }
0x1bf: {  	v16 =	vld [tilespmem:s28+$0x0]  }
0x1c0: {  	v17 =	vld [tilespmem:s28+$0x80]  }
0x1c1: {  	v18 =	vld [tilespmem:s28+$0x10]  }
0x1c2: {  	v19 =	vld [tilespmem:s28+$0x90]  }
0x1c3: {  	v20 =	vld [tilespmem:s28+$0x20]  }
0x1c4: {  	v21 =	vld [tilespmem:s28+$0xA0]  }
0x1c5: {  	v22 =	vld [tilespmem:s28+$0x30]  }
0x1c6: {  	v23 =	vld [tilespmem:s28+$0xB0]  }
0x1c7: {  	v24 =	vld [tilespmem:s28+$0x40]  }
0x1c8: {  	v25 =	vld [tilespmem:s28+$0xC0]  }
0x1c9: {  	v26 =	vld [tilespmem:s28+$0x50]  }
0x1ca: {  	v27 =	vld [tilespmem:s28+$0xD0]  }
0x1cb: {  	v28 =	vld [tilespmem:s28+$0x60]  }
0x1cc: {  	v29 =	vld [tilespmem:s28+$0xE0]  }
0x1cd: {  	v30 =	vld [tilespmem:s28+$0xFFFFFF00]  }
0x1ce: {  	v3 =	vld.idx.msk [tilespmem:v3+s3+$0x0], $0xffff  }
0x1cf: {  	v7 =	vld.idx.msk [tilespmem:v7+s3+$0x0], $0xffff  }
0x1d0: {  	v2 =	vld.idx.msk [tilespmem:v2+s3+$0x0], $0xffff  }
0x1d1: {  	v5 =	vld.idx.msk [tilespmem:v5+s3+$0x0], $0xffff  }
0x1d2: {  	v4 =	vld.idx.msk [tilespmem:v4+s3+$0x0], $0xffff  }
0x1d3: {  	v6 =	vld.idx.msk [tilespmem:v6+s3+$0x0], $0xffff  }
0x1d4: {  	v9 =	vld.idx.msk [tilespmem:v9+s3+$0x0], $0xffff  }
0x1d5: {  	v30 =	vld.idx.msk [tilespmem:v30+s3+$0x0], $0xffff  }
0x1d6: {  	v2 =	vmul.f32 v2, v7;
	v7 =	vld.idx.msk [tilespmem:v10+s3+$0x0], $0xffff  }
0x1d7: {  	v10 =	vld.idx.msk [tilespmem:v11+s3+$0x0], $0xffff  }
0x1d8: {  	[tilespmem:s22+$0xFFFFFF90] =	vst v2;
	v2 =	vmul.f32 v4, v5;
	v4 =	vld.idx.msk [tilespmem:v12+s3+$0x0], $0xffff  }
0x1d9: {  	v5 =	vld.idx.msk [tilespmem:v13+s3+$0x0], $0xffff  }
0x1da: {  	[tilespmem:s22+$0xFFFFFFA0] =	vst v2;
	v2 =	vmul.f32 v9, v6;
	v6 =	vld.idx.msk [tilespmem:v14+s3+$0x0], $0xffff  }
0x1db: {  	v3 =	vmul.f32 v3, v30;
	v8 =	vld.idx.msk [tilespmem:v8+s3+$0x0], $0xffff  }
0x1dc: {  	[tilespmem:s22+$0xFFFFFFB0] =	vst v2;
	v2 =	vld.idx.msk [tilespmem:v15+s3+$0x0], $0xffff  }
0x1dd: {  	[tilespmem:s22+$0xFFFFFF80] =	vst v3;
	v3 =	vmul.f32 v10, v7;
	v1 =	vld.idx.msk [tilespmem:v1+s3+$0x0], $0xffff  }
0x1de: {  	v7 =	vld.idx.msk [tilespmem:v16+s3+$0x0], $0xffff  }
0x1df: {  	[tilespmem:s22+$0xFFFFFFC0] =	vst v3;
	v3 =	vmul.f32 v5, v4;
	v4 =	vld.idx.msk [tilespmem:v17+s3+$0x0], $0xffff  }
0x1e0: {  	v5 =	vld.idx.msk [tilespmem:v18+s3+$0x0], $0xffff  }
0x1e1: {  	[tilespmem:s22+$0xFFFFFFD0] =	vst v3;
	v3 =	vmul.f32 v8, v6;
	v6 =	vld.idx.msk [tilespmem:v19+s3+$0x0], $0xffff  }
0x1e2: {  	v8 =	vld.idx.msk [tilespmem:v20+s3+$0x0], $0xffff  }
0x1e3: {  	v1 =	vmul.f32 v1, v2;
	[tilespmem:s22+$0xFFFFFFE0] =	vst v3;
	v9 =	vld.idx.msk [tilespmem:v21+s3+$0x0], $0xffff  }
0x1e4: {  	v10 =	vld.idx.msk [tilespmem:v22+s3+$0x0], $0xffff  }
0x1e5: {  	v2 =	vmul.f32 v4, v7;
	[tilespmem:s22+$0xFFFFFFF0] =	vst v1;
	v7 =	vld.idx.msk [tilespmem:v23+s3+$0x0], $0xffff  }
0x1e6: {  	v1 =	vld.idx.msk [tilespmem:v24+s3+$0x0], $0xffff  }
.Ltmp8:
0x1e7: {  	v4 =	vmul.f32 v6, v5;
	[tilespmem:s22+$0x0] =	vst v2;
	v3 =	vld.idx.msk [tilespmem:v25+s3+$0x0], $0xffff;
	(pc) =	sbr.rel @p2 .LBB2_12-.Ltmp8, $4  }
0x1e8: {  	v2 =	vld.idx.msk [tilespmem:v26+s3+$0x0], $0xffff  }
0x1e9: {  	v6 =	vmul.f32 v9, v8;
	[tilespmem:s22+$0x10] =	vst v4;
	v5 =	vld.idx.msk [tilespmem:v27+s3+$0x0], $0xffff  }
0x1ea: {  	v4 =	vld.idx.msk [tilespmem:v28+s3+$0x0], $0xffff  }
0x1eb: {  	s28 =	sadd.s32 $0x200, s28;
	v7 =	vmul.f32 v7, v10;
	[tilespmem:s22+$0x20] =	vst v6;
	v6 =	vld.idx.msk [tilespmem:v29+s3+$0x0], $0xffff  }
0x1ec: {  	_ =	sdelay $0x1  }
0x1ed: {  	v1 =	vmul.f32 v3, v1  }
0x1ee: {  	[tilespmem:s22+$0x30] =	vst v7;
	v2 =	vmul.f32 v5, v2  }
0x1ef: {  	[tilespmem:s22+$0x40] =	vst v1;
	v1 =	vmul.f32 v6, v4  }
0x1f0: {  	[tilespmem:s22+$0x50] =	vst v2  }
0x1f1: {  	[tilespmem:s22+$0x60] =	vst v1  }
.LBB2_14:
0x1f2: {  	s22 =	sand.u32 $0x3FFFFF00, s23  }
0x1f3: {  	s26 =	sadd.s32 s22, s29  }
0x1f4: {  	s22 =	sadd.s32 s22, s25;
	v1 =	vld [tilespmem:s26+$0x0]  }
0x1f5: {  	v2 =	vld [tilespmem:s22+$0x0];
	_ =	sdelay $0x6  }
0x1f6: {  	v1 =	vld.idx.msk [tilespmem:v1+s3+$0x0], $0xffff  }
0x1f7: {  	v2 =	vld.idx.msk [tilespmem:v2+s3+$0x0], $0xffff;
	_ =	sdelay $0x1  }
0x1f8: {  	p2 =	sne.s32 s23, $0x26E0  }
.Ltmp9:
0x1f9: {  	_ = 	snop;
	(pc) =	sbr.rel @p2 .LBB2_14-.Ltmp9, $4  }
0x1fa: {  	_ = 	snop  }
0x1fb: {  	v1 =	vmul.f32 v2, v1  }
0x1fc: {  	s23 =	sadd.s32 $0x20, s23  }
0x1fd: {  	s25 =	sadd.s32 $0x10, s25;
	s29 =	sadd.s32 $0x10, s29;
	[tilespmem:s24+$0x0] =	vst v1;
	s24 =	sadd.s32 $0x10, s24  }
0x1fe: {  	[hbm4b:s6+s3] =	stream.linear.scatter [tilespmem:s15], [sflag:$0x4], $0x1380, $0x38;
	[tilespmem:$0xA000] =	vst v63  }
0x1ff: {  	_ =	swait.ge [sflag:s16], $0x2700  }
0x200: {  	[sflag:s16] =	ssyncset.done $0x0  }
0x201: {  	s22 =	simm.s32 $0x5070;
	[sflag:s16] =	ssyncadd.s32 $0xFFFFD900  }
0x202: {  	v1 =	vld [tilespmem:s22+$0xFFFFFF80]  }
0x203: {  	v2 =	vld [tilespmem:s22+$0x0]  }
0x204: {  	v3 =	vld [tilespmem:s22+$0xFFFFFE90]  }
0x205: {  	v4 =	vld [tilespmem:s22+$0xFFFFFE20]  }
0x206: {  	v5 =	vld [tilespmem:s22+$0xFFFFFEA0]  }
0x207: {  	v6 =	vld [tilespmem:s22+$0xFFFFFE30]  }
0x208: {  	v7 =	vld [tilespmem:s22+$0xFFFFFEB0]  }
0x209: {  	v8 =	vld [tilespmem:s22+$0xFFFFFE40]  }
0x20a: {  	v9 =	vld [tilespmem:s22+$0xFFFFFEC0]  }
0x20b: {  	v10 =	vld [tilespmem:s22+$0xFFFFFE50]  }
0x20c: {  	v11 =	vld [tilespmem:s22+$0xFFFFFED0]  }
0x20d: {  	v12 =	vld [tilespmem:s22+$0xFFFFFE60]  }
0x20e: {  	v13 =	vld [tilespmem:s22+$0xFFFFFEE0]  }
0x20f: {  	v14 =	vld [tilespmem:s22+$0xFFFFFE70]  }
0x210: {  	v15 =	vld [tilespmem:s22+$0xFFFFFEF0]  }
0x211: {  	v16 =	vld [tilespmem:s22+$0xFFFFFE80]  }
0x212: {  	v17 =	vld [tilespmem:s22+$0xFFFFFF00]  }
0x213: {  	v18 =	vld [tilespmem:s22+$0xFFFFFF10]  }
0x214: {  	v19 =	vld [tilespmem:s22+$0xFFFFFF90]  }
0x215: {  	v20 =	vld [tilespmem:s22+$0xFFFFFF20]  }
0x216: {  	v21 =	vld [tilespmem:s22+$0xFFFFFFA0]  }
0x217: {  	v22 =	vld [tilespmem:s22+$0xFFFFFF30]  }
0x218: {  	v23 =	vld [tilespmem:s22+$0xFFFFFFB0]  }
0x219: {  	v24 =	vld [tilespmem:s22+$0xFFFFFF40]  }
0x21a: {  	v25 =	vld [tilespmem:s22+$0xFFFFFFC0]  }
0x21b: {  	v26 =	vld [tilespmem:s22+$0xFFFFFF50]  }
0x21c: {  	v27 =	vld [tilespmem:s22+$0xFFFFFFD0]  }
0x21d: {  	v28 =	vld [tilespmem:s22+$0xFFFFFF60]  }
0x21e: {  	v29 =	vld [tilespmem:s22+$0xFFFFFFE0]  }
0x21f: {  	v30 =	vld [tilespmem:s22+$0xFFFFFF70]  }
0x220: {  	v31 =	vld [tilespmem:s22+$0xFFFFFFF0]  }
0x221: {  	v32 =	vld [tilespmem:s22+$0xFFFFFE10]  }
0x222: {  	v1 =	vld.idx.msk [tilespmem:v1+s3+$0x0], $0xffff  }
0x223: {  	v2 =	vld.idx.msk [tilespmem:v2+s3+$0x0], $0xffff  }
0x224: {  	v3 =	vld.idx.msk [tilespmem:v3+s3+$0x0], $0xffff  }
0x225: {  	v4 =	vld.idx.msk [tilespmem:v4+s3+$0x0], $0xffff  }
0x226: {  	v5 =	vld.idx.msk [tilespmem:v5+s3+$0x0], $0xffff  }
0x227: {  	v6 =	vld.idx.msk [tilespmem:v6+s3+$0x0], $0xffff  }
0x228: {  	v7 =	vld.idx.msk [tilespmem:v7+s3+$0x0], $0xffff  }
0x229: {  	v8 =	vld.idx.msk [tilespmem:v8+s3+$0x0], $0xffff  }
0x22a: {  	v9 =	vld.idx.msk [tilespmem:v9+s3+$0x0], $0xffff  }
0x22b: {  	v32 =	vld.idx.msk [tilespmem:v32+s3+$0x0], $0xffff  }
0x22c: {  	v10 =	vld.idx.msk [tilespmem:v10+s3+$0x0], $0xffff  }
0x22d: {  	v11 =	vld.idx.msk [tilespmem:v11+s3+$0x0], $0xffff  }
0x22e: {  	v12 =	vld.idx.msk [tilespmem:v12+s3+$0x0], $0xffff  }
0x22f: {  	v13 =	vld.idx.msk [tilespmem:v13+s3+$0x0], $0xffff  }
0x230: {  	v16 =	vld.idx.msk [tilespmem:v16+s3+$0x0], $0xffff  }
0x231: {  	v17 =	vld.idx.msk [tilespmem:v17+s3+$0x0], $0xffff  }
0x232: {  	v14 =	vld.idx.msk [tilespmem:v14+s3+$0x0], $0xffff  }
0x233: {  	v15 =	vld.idx.msk [tilespmem:v15+s3+$0x0], $0xffff  }
0x234: {  	v61 =	vld.idx.msk [tilespmem:v24+s3+$0x0], $0xffff;
	v1 =	vmul.f32 v2, v1  }
0x235: {  	s22 =	simm.s32 $0x8AF0;
	v2 =	vld.idx.msk [tilespmem:v18+s3+$0x0], $0xffff;
	v4 =	vmul.f32 v5, v4  }
0x236: {  	v5 =	vld.idx.msk [tilespmem:v19+s3+$0x0], $0xffff;
	v63 =	vmul.f32 v17, v16;
	[tilespmem:s22+$0x0] =	vst v1  }
0x237: {  	v1 =	vmul.f32 v7, v6;
	v6 =	vld.idx.msk [tilespmem:v20+s3+$0x0], $0xffff;
	[tilespmem:s22+$0xFFFFFF20] =	vst v4  }
0x238: {  	v4 =	vmul.f32 v9, v8;
	v7 =	vld.idx.msk [tilespmem:v21+s3+$0x0], $0xffff;
	[tilespmem:s22+$0xFFFFFF80] =	vst v63  }
0x239: {  	v8 =	vld.idx.msk [tilespmem:v22+s3+$0x0], $0xffff;
	[tilespmem:s22+$0xFFFFFF30] =	vst v1;
	v1 =	vmul.f32 v3, v32  }
0x23a: {  	[tilespmem:s22+$0xFFFFFF40] =	vst v4;
	v3 =	vmul.f32 v11, v10;
	v4 =	vld.idx.msk [tilespmem:v23+s3+$0x0], $0xffff  }
0x23b: {  	v62 =	vld.idx.msk [tilespmem:v25+s3+$0x0], $0xffff;
	[tilespmem:s22+$0xFFFFFF10] =	vst v1;
	v1 =	vmul.f32 v13, v12  }
0x23c: {  	v5 =	vmul.f32 v5, v2;
	v2 =	vld.idx.msk [tilespmem:v28+s3+$0x0], $0xffff;
	[tilespmem:s22+$0xFFFFFF50] =	vst v3;
	v3 =	vmul.f32 v15, v14  }
0x23d: {  	[tilespmem:s22+$0xFFFFFF60] =	vst v1;
	v1 =	vld.idx.msk [tilespmem:v26+s3+$0x0], $0xffff  }
0x23e: {  	v6 =	vmul.f32 v7, v6;
	[tilespmem:s22+$0xFFFFFF70] =	vst v3;
	v3 =	vld.idx.msk [tilespmem:v27+s3+$0x0], $0xffff  }
0x23f: {  	[tilespmem:s22+$0xFFFFFF90] =	vst v5;
	v5 =	vld.idx.msk [tilespmem:v29+s3+$0x0], $0xffff;
	v7 =	vmul.f32 v4, v8  }
0x240: {  	s25 =	simm.s32 $0x138;
	[tilespmem:s22+$0xFFFFFFA0] =	vst v6;
	v4 =	vld.idx.msk [tilespmem:v30+s3+$0x0], $0xffff  }
0x241: {  	s23 =	simm.s32 $0x4D00;
	s24 =	simm.s32 $0x9D00;
	s26 =	simm.s32 $0x5270;
	v6 =	vld.idx.msk [tilespmem:v31+s3+$0x0], $0xffff;
	[tilespmem:s22+$0xFFFFFFB0] =	vst v7;
	v7 =	vmul.f32 v62, v61  }
.LBB2_16:
0x242: {  	v8 =	vld [tilespmem:s26+$0xFFFFFF80]  }
0x243: {  	s25 =	sadd.s32 $0x10, s25;
	v1 =	vmul.f32 v3, v1;
	v9 =	vld [tilespmem:s26+$0x0];
	[tilespmem:s22+$0xFFFFFFC0] =	vst v7  }
0x244: {  	p2 =	slt.u32 s25, $0x258;
	v3 =	vld [tilespmem:s26+$0xFFFFFE90]  }
0x245: {  	v7 =	vld [tilespmem:s26+$0xFFFFFE20];
	[tilespmem:s22+$0xFFFFFFD0] =	vst v1;
	v1 =	vmul.f32 v5, v2  }
0x246: {  	v2 =	vld [tilespmem:s26+$0xFFFFFEA0]  }
0x247: {  	v5 =	vld [tilespmem:s26+$0xFFFFFE30];
	[tilespmem:s22+$0xFFFFFFE0] =	vst v1;
	v1 =	vmul.f32 v6, v4  }
0x248: {  	v4 =	vld [tilespmem:s26+$0xFFFFFEB0]  }
0x249: {  	v6 =	vld [tilespmem:s26+$0xFFFFFE40];
	[tilespmem:s22+$0xFFFFFFF0] =	vst v1  }
0x24a: {  	v1 =	vld.idx.msk [tilespmem:v8+s3+$0x0], $0xffff  }
0x24b: {  	v8 =	vld.idx.msk [tilespmem:v9+s3+$0x0], $0xffff  }
0x24c: {  	v9 =	vld [tilespmem:s26+$0xFFFFFEC0]  }
0x24d: {  	v10 =	vld [tilespmem:s26+$0xFFFFFE50]  }
0x24e: {  	v11 =	vld [tilespmem:s26+$0xFFFFFED0]  }
0x24f: {  	v12 =	vld [tilespmem:s26+$0xFFFFFE60]  }
0x250: {  	v13 =	vld [tilespmem:s26+$0xFFFFFEE0]  }
0x251: {  	v1 =	vmul.f32 v8, v1;
	v14 =	vld [tilespmem:s26+$0xFFFFFE70]  }
0x252: {  	s28 =	simm.s32 $0x2780;
	s22 =	sadd.s32 $0x100, s22;
	v8 =	vld [tilespmem:s26+$0xFFFFFEF0]  }
0x253: {  	s29 =	simm.s32 $0x2800;
	v15 =	vld [tilespmem:s26+$0xFFFFFE80];
	[tilespmem:s22+$0x0] =	vst v1  }
0x254: {  	v1 =	vld [tilespmem:s26+$0xFFFFFF00]  }
0x255: {  	v16 =	vld [tilespmem:s26+$0xFFFFFF10]  }
0x256: {  	v17 =	vld [tilespmem:s26+$0xFFFFFF90]  }
0x257: {  	v18 =	vld [tilespmem:s26+$0xFFFFFF20]  }
0x258: {  	v19 =	vld [tilespmem:s26+$0xFFFFFFA0]  }
0x259: {  	v20 =	vld [tilespmem:s26+$0xFFFFFF30]  }
0x25a: {  	v21 =	vld [tilespmem:s26+$0xFFFFFFB0]  }
0x25b: {  	v22 =	vld [tilespmem:s26+$0xFFFFFF40]  }
0x25c: {  	v23 =	vld [tilespmem:s26+$0xFFFFFFC0]  }
0x25d: {  	v24 =	vld [tilespmem:s26+$0xFFFFFF50]  }
0x25e: {  	v25 =	vld [tilespmem:s26+$0xFFFFFFD0]  }
0x25f: {  	v26 =	vld [tilespmem:s26+$0xFFFFFF60]  }
0x260: {  	v27 =	vld [tilespmem:s26+$0xFFFFFFE0]  }
0x261: {  	v28 =	vld [tilespmem:s26+$0xFFFFFF70]  }
0x262: {  	v29 =	vld [tilespmem:s26+$0xFFFFFFF0]  }
0x263: {  	v30 =	vld [tilespmem:s26+$0xFFFFFE10]  }
0x264: {  	v3 =	vld.idx.msk [tilespmem:v3+s3+$0x0], $0xffff  }
0x265: {  	v7 =	vld.idx.msk [tilespmem:v7+s3+$0x0], $0xffff  }
0x266: {  	v2 =	vld.idx.msk [tilespmem:v2+s3+$0x0], $0xffff  }
0x267: {  	v5 =	vld.idx.msk [tilespmem:v5+s3+$0x0], $0xffff  }
0x268: {  	v4 =	vld.idx.msk [tilespmem:v4+s3+$0x0], $0xffff  }
0x269: {  	v6 =	vld.idx.msk [tilespmem:v6+s3+$0x0], $0xffff  }
0x26a: {  	v9 =	vld.idx.msk [tilespmem:v9+s3+$0x0], $0xffff  }
0x26b: {  	v30 =	vld.idx.msk [tilespmem:v30+s3+$0x0], $0xffff  }
0x26c: {  	v2 =	vmul.f32 v2, v7;
	v7 =	vld.idx.msk [tilespmem:v10+s3+$0x0], $0xffff  }
0x26d: {  	v10 =	vld.idx.msk [tilespmem:v11+s3+$0x0], $0xffff  }
0x26e: {  	[tilespmem:s22+$0xFFFFFF20] =	vst v2;
	v2 =	vmul.f32 v4, v5;
	v4 =	vld.idx.msk [tilespmem:v12+s3+$0x0], $0xffff  }
0x26f: {  	v5 =	vld.idx.msk [tilespmem:v13+s3+$0x0], $0xffff  }
0x270: {  	[tilespmem:s22+$0xFFFFFF30] =	vst v2;
	v2 =	vmul.f32 v9, v6;
	v6 =	vld.idx.msk [tilespmem:v14+s3+$0x0], $0xffff  }
0x271: {  	v3 =	vmul.f32 v3, v30;
	v8 =	vld.idx.msk [tilespmem:v8+s3+$0x0], $0xffff  }
0x272: {  	[tilespmem:s22+$0xFFFFFF40] =	vst v2;
	v2 =	vld.idx.msk [tilespmem:v15+s3+$0x0], $0xffff  }
0x273: {  	[tilespmem:s22+$0xFFFFFF10] =	vst v3;
	v3 =	vmul.f32 v10, v7;
	v1 =	vld.idx.msk [tilespmem:v1+s3+$0x0], $0xffff  }
0x274: {  	v7 =	vld.idx.msk [tilespmem:v16+s3+$0x0], $0xffff  }
0x275: {  	[tilespmem:s22+$0xFFFFFF50] =	vst v3;
	v3 =	vmul.f32 v5, v4;
	v4 =	vld.idx.msk [tilespmem:v17+s3+$0x0], $0xffff  }
0x276: {  	v5 =	vld.idx.msk [tilespmem:v18+s3+$0x0], $0xffff  }
0x277: {  	[tilespmem:s22+$0xFFFFFF60] =	vst v3;
	v3 =	vmul.f32 v8, v6;
	v6 =	vld.idx.msk [tilespmem:v19+s3+$0x0], $0xffff  }
0x278: {  	v8 =	vld.idx.msk [tilespmem:v20+s3+$0x0], $0xffff  }
0x279: {  	v1 =	vmul.f32 v1, v2;
	[tilespmem:s22+$0xFFFFFF70] =	vst v3;
	v9 =	vld.idx.msk [tilespmem:v21+s3+$0x0], $0xffff  }
0x27a: {  	v10 =	vld.idx.msk [tilespmem:v22+s3+$0x0], $0xffff  }
0x27b: {  	v2 =	vmul.f32 v4, v7;
	[tilespmem:s22+$0xFFFFFF80] =	vst v1;
	v7 =	vld.idx.msk [tilespmem:v23+s3+$0x0], $0xffff  }
0x27c: {  	v1 =	vld.idx.msk [tilespmem:v24+s3+$0x0], $0xffff  }
.Ltmp10:
0x27d: {  	v4 =	vmul.f32 v6, v5;
	[tilespmem:s22+$0xFFFFFF90] =	vst v2;
	v3 =	vld.idx.msk [tilespmem:v25+s3+$0x0], $0xffff;
	(pc) =	sbr.rel @p2 .LBB2_16-.Ltmp10, $4  }
0x27e: {  	v2 =	vld.idx.msk [tilespmem:v26+s3+$0x0], $0xffff  }
0x27f: {  	v6 =	vmul.f32 v9, v8;
	[tilespmem:s22+$0xFFFFFFA0] =	vst v4;
	v5 =	vld.idx.msk [tilespmem:v27+s3+$0x0], $0xffff  }
0x280: {  	v4 =	vld.idx.msk [tilespmem:v28+s3+$0x0], $0xffff  }
0x281: {  	s26 =	sadd.s32 $0x200, s26;
	v7 =	vmul.f32 v7, v10;
	[tilespmem:s22+$0xFFFFFFB0] =	vst v6;
	v6 =	vld.idx.msk [tilespmem:v29+s3+$0x0], $0xffff  }
0x282: {  	_ =	sdelay $0x1  }
0x283: {  	v1 =	vmul.f32 v3, v1  }
0x284: {  	[tilespmem:s22+$0xFFFFFFC0] =	vst v7;
	v2 =	vmul.f32 v5, v2  }
0x285: {  	[tilespmem:s22+$0xFFFFFFD0] =	vst v1;
	v1 =	vmul.f32 v6, v4  }
0x286: {  	[tilespmem:s22+$0xFFFFFFE0] =	vst v2  }
0x287: {  	[tilespmem:s22+$0xFFFFFFF0] =	vst v1  }
.LBB2_18:
0x288: {  	s22 =	sand.u32 $0x3FFFFF00, s23  }
0x289: {  	s25 =	sadd.s32 s22, s28  }
0x28a: {  	s22 =	sadd.s32 s22, s29;
	v1 =	vld [tilespmem:s25+$0x0]  }
0x28b: {  	v2 =	vld [tilespmem:s22+$0x0];
	_ =	sdelay $0x6  }
0x28c: {  	v1 =	vld.idx.msk [tilespmem:v1+s3+$0x0], $0xffff  }
0x28d: {  	v2 =	vld.idx.msk [tilespmem:v2+s3+$0x0], $0xffff;
	_ =	sdelay $0x1  }
0x28e: {  	p2 =	sne.s32 s23, $0x4DE0  }
.Ltmp11:
0x28f: {  	_ = 	snop;
	(pc) =	sbr.rel @p2 .LBB2_18-.Ltmp11, $4  }
0x290: {  	_ = 	snop  }
0x291: {  	v1 =	vmul.f32 v2, v1  }
0x292: {  	s23 =	sadd.s32 $0x20, s23  }
0x293: {  	s29 =	sadd.s32 $0x10, s29;
	s28 =	sadd.s32 $0x10, s28;
	[tilespmem:s24+$0x0] =	vst v1;
	s24 =	sadd.s32 $0x10, s24  }
.Ltmp12:
0x294: {  	(pc) =	sbr.rel @p1 .LBB2_23-.Ltmp12, $3  }
0x295: {  	_ =	sdelay $0x1  }
0x296: {  	s23 =	simm.s32 $0x0  }
0x297: {  	[hbm4b:s7+s23] =	stream.linear.scatter [tilespmem:s17], [sflag:$0x4], $0x1380, $0x38;
	[tilespmem:$0xA000] =	vst v63  }
0x298: {  	s22 =	sshra.s32 s23, $0x2;
	s23 =	sadd.s32 $0x40, s23  }
.LBB2_21:
0x299: {  	p2 =	sne.s32 s23, $0x600;
	v1 =	vld.idx.msk [tilespmem:v0+s22+$0x0 ss:$0x1], $0xffff;
	_ =	sdelay $0x3  }
.Ltmp13:
0x29a: {  	(pc) =	sbr.rel @p2 .LBB2_21-.Ltmp13, $3  }
0x29b: {  	_ = 	snop  }
0x29c: {  	v1 =	vmul.f32 v1, v1;
	_ =	sdelay $0x1  }
0x29d: {  	[tilespmem:s22+$0x9E00] =	vst v1;
	s22 =	sshra.s32 s23, $0x2;
	s23 =	sadd.s32 $0x40, s23  }
.Ltmp14:
0x29e: {  	_ = 	snop;
	(pc) =	sbr.rel .LBB2_22-.Ltmp14, $1  }
0x29f: {  	_ =	sdelay $0x3  }
.LBB2_25:
0x2a0: {  	_ =	sfence.sel $0x180000  }
0x2a1: {  	[bflag:$0x0] =	sbarrier.arrive $0xFFFF  }
0x2a2: {  	p0 =	sne.s32 s0, $0x0;
	_ =	strace $0x90000047  }
0x2a3: {  	s0 =	sadd.s32 @!p0 $0x100000, s2;
	[bflag:$0x2] =	sbarrier.arrive $0xFFFF  }
0x2a4: {  	[sflag:s0] =	ssyncadd.tile.s32 @!p0 $0x1;
	_ =	shalt  }
.Lfunc_end2:
_tile_overlayer_lowered:
.L_overlay_start_2:
0x2a5: {  	(tag) =	ssettag $0x2  }
0x2a6: {  	s0 =	rddreg [dreg:$0x0];
	s2 =	stileid.u32  }
0x2a7: {  	s1 =	rddreg [dreg:$0x1];
	p0 =	sne.s32 s2, $0x0  }
0x2a8: {  	s3 =	rddreg [dreg:$0x2];
	[bflag:$0x3] =	sbarrier.arrive $0xFFFF;
	s2 =	simm.s32 @!p0 $0x1C05  }
0x2a9: {  	[timem:s3], [sflag:s2] =	dma.local @!p0 [hbm:s0], s1  }
0x2aa: {  	s0 =	simm.s32 @!p0 $0x5  }
0x2ab: {  	_ =	swait.ge @!p0 [sflag:s0], s1  }
0x2ac: {  	s1 =	ssub.s32 @!p0 $0x0, s1;
	[sflag:s0] =	ssyncset.done @!p0 $0x0  }
0x2ad: {  	[sflag:s0] =	ssyncadd.s32 @!p0 s1  }
0x2ae: {  	[bflag:$0x3] =	sbarrier.arrive $0xFFFF  }
0x2af: {  	_ =	shalt  }

</sc_bundles>
